<compile_context>
chip_gen: v7x
topology: tpu7x:2x2x1
jax: 0.10.2.dev20260603
libtpu: 0.0.44.dev20260713+nightly
codegen_flags: <defaults>
</compile_context>

<pallas_src>
import functools

import jax
import jax.numpy as jnp
from jax import lax
from jax.experimental import pallas as pl
from jax.experimental.pallas import tpu as pltpu
from jax.experimental.pallas import tpu_sc as plsc

_BATCH = 262144
_DIM = 256
_LANES = 16
_NCHUNK = _DIM // _LANES
_ROWS_PER_BLK = 32


@functools.partial(jax.jit, static_argnums=(1, 2))
def _reverse_cols(inputs, num_cores, num_subcores):
    num_workers = num_cores * num_subcores
    rows_per_w = _BATCH // num_workers
    nblk = rows_per_w // _ROWS_PER_BLK
    nbuf = 4
    ngrp = nblk // nbuf
    mesh = plsc.VectorSubcoreMesh(
        core_axis_name="c", subcore_axis_name="s",
        num_cores=num_cores, num_subcores=num_subcores)

    buf_t = pltpu.VMEM((_ROWS_PER_BLK, _DIM), jnp.float32)

    @functools.partial(
        pl.kernel,
        out_type=jax.ShapeDtypeStruct((_BATCH, _DIM), jnp.float32),
        mesh=mesh,
        scratch_types=[
            [buf_t] * nbuf, [buf_t] * nbuf,
            [pltpu.SemaphoreType.DMA] * nbuf, [pltpu.SemaphoreType.DMA] * nbuf,
        ],
    )
    def body(in_hbm, out_hbm, inbufs, outbufs, in_sems, out_sems):
        wid = lax.axis_index("s") * num_cores + lax.axis_index("c")
        base = wid * rows_per_w

        def in_blk(i):
            return in_hbm.at[pl.ds(base + i * _ROWS_PER_BLK, _ROWS_PER_BLK)]

        def out_blk(i):
            return out_hbm.at[pl.ds(base + i * _ROWS_PER_BLK, _ROWS_PER_BLK)]

        for b in range(nbuf):
            pltpu.async_copy(in_blk(b), inbufs[b], in_sems[b])

        def grp(g, carry):
            for b in range(nbuf):
                i = g * nbuf + b
                inbuf, outbuf = inbufs[b], outbufs[b]
                pltpu.make_async_copy(in_blk(i), inbuf, in_sems[b]).wait()

                @pl.when(g > 0)
                def _():
                    pltpu.make_async_copy(outbuf, out_blk(i - nbuf),
                                          out_sems[b]).wait()

                @plsc.parallel_loop(0, _ROWS_PER_BLK, step=1)
                def row(r):
                    for c in range(_NCHUNK):
                        v = inbuf[r, pl.ds((_NCHUNK - 1 - c) * _LANES, _LANES)]
                        outbuf[r, pl.ds(c * _LANES, _LANES)] = lax.rev(v, (0,))

                pltpu.async_copy(outbuf, out_blk(i), out_sems[b])

                @pl.when(g < ngrp - 1)
                def _():
                    pltpu.async_copy(in_blk(i + nbuf), inbuf, in_sems[b])
            return carry

        lax.fori_loop(0, ngrp, grp, 0)

        for b in range(nbuf):
            pltpu.make_async_copy(outbufs[b], out_blk(nblk - nbuf + b),
                                  out_sems[b]).wait()

    return body(inputs)


def kernel(inputs, feat):
    info = plsc.get_sparse_core_info()
    out = _reverse_cols(inputs, info.num_cores, info.num_subcores)
    return (out, 0)

# --- scband reference (transcript-rebuilt; emitter-appended) ---
"""Pipeline reference for scband-permutation-81690277969986 (READ-ONLY COPY).

The authoritative reference and input builder live on the scoring server;
editing this copy changes nothing except your own understanding.
"""

import jax, jax.numpy as jnp
import numpy as np

DIM = 256
BATCH = 262144
FEAT_DIM = 64

def setup_inputs(seed: int = 0) -> dict:
    key = jax.random.key(seed)
    k1, k2 = jax.random.split(key)
    inputs = jax.random.normal(k1, (BATCH, DIM), dtype=jnp.float32)
    feat = jax.random.normal(k2, (BATCH, FEAT_DIM), dtype=jnp.float32)
    return {"inputs": inputs, "feat": feat}

def reference(inputs, feat):
    # Permutation: p = list(reversed(range(dim))) -> reverse columns via gather
    p = jnp.array(list(reversed(range(DIM))), dtype=jnp.int32)
    out = jnp.take(inputs, p, axis=1)
    return (out, 0)

if __name__ == "__main__":
    import jax
    _d = setup_inputs()
    print(jax.jit(kernel)(*tuple(_d.values())))

</pallas_src>

<mosaic_0001>
#map = affine_map<(d0, d1) -> (0, 0)>
module attributes {stable_mosaic.version = 14 : i64} {
  func.func @body(%arg0: i32, %arg1: i32, %arg2: memref<262144x256xf32, #tpu.memory_space<hbm>>, %arg3: memref<262144x256xf32, #tpu.memory_space<hbm>>, %arg4: memref<32x256xf32, #tpu.memory_space<vmem>>, %arg5: memref<32x256xf32, #tpu.memory_space<vmem>>, %arg6: memref<32x256xf32, #tpu.memory_space<vmem>>, %arg7: memref<32x256xf32, #tpu.memory_space<vmem>>, %arg8: memref<32x256xf32, #tpu.memory_space<vmem>>, %arg9: memref<32x256xf32, #tpu.memory_space<vmem>>, %arg10: memref<32x256xf32, #tpu.memory_space<vmem>>, %arg11: memref<32x256xf32, #tpu.memory_space<vmem>>, %arg12: memref<!tpu.dma_semaphore, #tpu.memory_space<semaphore_mem>>, %arg13: memref<!tpu.dma_semaphore, #tpu.memory_space<semaphore_mem>>, %arg14: memref<!tpu.dma_semaphore, #tpu.memory_space<semaphore_mem>>, %arg15: memref<!tpu.dma_semaphore, #tpu.memory_space<semaphore_mem>>, %arg16: memref<!tpu.dma_semaphore, #tpu.memory_space<semaphore_mem>>, %arg17: memref<!tpu.dma_semaphore, #tpu.memory_space<semaphore_mem>>, %arg18: memref<!tpu.dma_semaphore, #tpu.memory_space<semaphore_mem>>, %arg19: memref<!tpu.dma_semaphore, #tpu.memory_space<semaphore_mem>>) attributes {dimension_semantics = [#tpu.dimension_semantics<core_parallel>, #tpu.dimension_semantics<subcore_parallel>], iteration_bounds = array<i64: 2, 16>, scalar_prefetch = 0 : i64, scratch_operands = 16 : i64, tpu.core_type = #tpu.core_type<sc_vector_subcore>, window_params = [{transform_indices = #map}, {transform_indices = #map}]} {
    %mul3A = arith.constant 2 : i32
    %mul3A_0 = arith.muli %arg1, %mul3A : i32
    %add3A = arith.addi %mul3A_0, %arg0 : i32
    %mul3A_1 = arith.constant 8192 : i32
    %mul3A_2 = arith.muli %add3A, %mul3A_1 : i32
    %add3A_3 = arith.constant 0 : i32
    %add3A_4 = arith.addi %mul3A_2, %add3A_3 : i32
    %dma_start3A = arith.constant 0 : i32
    %dma_start3A_5 = tpu.memref_slice %arg2[%add3A_4, %dma_start3A] : memref<262144x256xf32, #tpu.memory_space<hbm>> -> memref<32x256xf32, #tpu.memory_space<hbm>>
    %dma_start3A_6 = arith.constant 0 : i32
    %dma_start3A_7 = tpu.memref_slice %arg2[%add3A_4, %dma_start3A_6] : memref<262144x256xf32, #tpu.memory_space<hbm>> -> memref<32x256xf32, #tpu.memory_space<hbm>>
    tpu.enqueue_dma source(%dma_start3A_7 : memref<32x256xf32, #tpu.memory_space<hbm>>) target(%arg4 : memref<32x256xf32, #tpu.memory_space<vmem>>) target_semaphore(%arg12 : memref<!tpu.dma_semaphore, #tpu.memory_space<semaphore_mem>>)
    %add3A_8 = arith.constant 32 : i32
    %add3A_9 = arith.addi %mul3A_2, %add3A_8 : i32
    %dma_start3A_10 = arith.constant 0 : i32
    %dma_start3A_11 = tpu.memref_slice %arg2[%add3A_9, %dma_start3A_10] : memref<262144x256xf32, #tpu.memory_space<hbm>> -> memref<32x256xf32, #tpu.memory_space<hbm>>
    %dma_start3A_12 = arith.constant 0 : i32
    %dma_start3A_13 = tpu.memref_slice %arg2[%add3A_9, %dma_start3A_12] : memref<262144x256xf32, #tpu.memory_space<hbm>> -> memref<32x256xf32, #tpu.memory_space<hbm>>
    tpu.enqueue_dma source(%dma_start3A_13 : memref<32x256xf32, #tpu.memory_space<hbm>>) target(%arg5 : memref<32x256xf32, #tpu.memory_space<vmem>>) target_semaphore(%arg13 : memref<!tpu.dma_semaphore, #tpu.memory_space<semaphore_mem>>)
    %add3A_14 = arith.constant 64 : i32
    %add3A_15 = arith.addi %mul3A_2, %add3A_14 : i32
    %dma_start3A_16 = arith.constant 0 : i32
    %dma_start3A_17 = tpu.memref_slice %arg2[%add3A_15, %dma_start3A_16] : memref<262144x256xf32, #tpu.memory_space<hbm>> -> memref<32x256xf32, #tpu.memory_space<hbm>>
    %dma_start3A_18 = arith.constant 0 : i32
    %dma_start3A_19 = tpu.memref_slice %arg2[%add3A_15, %dma_start3A_18] : memref<262144x256xf32, #tpu.memory_space<hbm>> -> memref<32x256xf32, #tpu.memory_space<hbm>>
    tpu.enqueue_dma source(%dma_start3A_19 : memref<32x256xf32, #tpu.memory_space<hbm>>) target(%arg6 : memref<32x256xf32, #tpu.memory_space<vmem>>) target_semaphore(%arg14 : memref<!tpu.dma_semaphore, #tpu.memory_space<semaphore_mem>>)
    %add3A_20 = arith.constant 96 : i32
    %add3A_21 = arith.addi %mul3A_2, %add3A_20 : i32
    %dma_start3A_22 = arith.constant 0 : i32
    %dma_start3A_23 = tpu.memref_slice %arg2[%add3A_21, %dma_start3A_22] : memref<262144x256xf32, #tpu.memory_space<hbm>> -> memref<32x256xf32, #tpu.memory_space<hbm>>
    %dma_start3A_24 = arith.constant 0 : i32
    %dma_start3A_25 = tpu.memref_slice %arg2[%add3A_21, %dma_start3A_24] : memref<262144x256xf32, #tpu.memory_space<hbm>> -> memref<32x256xf32, #tpu.memory_space<hbm>>
    tpu.enqueue_dma source(%dma_start3A_25 : memref<32x256xf32, #tpu.memory_space<hbm>>) target(%arg7 : memref<32x256xf32, #tpu.memory_space<vmem>>) target_semaphore(%arg15 : memref<!tpu.dma_semaphore, #tpu.memory_space<semaphore_mem>>)
    %scan3A = arith.constant 0 : i32
    %scan3A_26 = arith.constant 0 : i32
    %scan3A_27 = arith.constant 64 : i32
    %scan3A_28 = arith.addi %scan3A_26, %scan3A_27 : i32
    %scan3A_29 = arith.constant 1 : i32
    scf.for %scan3A_54 = %scan3A_26 to %scan3A_28 step %scan3A_29  : i32 {
      %mul3A_55 = arith.constant 4 : i32
      %mul3A_56 = arith.muli %scan3A_54, %mul3A_55 : i32
      %add3A_57 = arith.constant 0 : i32
      %add3A_58 = arith.addi %mul3A_56, %add3A_57 : i32
      %mul3A_59 = arith.constant 32 : i32
      %mul3A_60 = arith.muli %add3A_58, %mul3A_59 : i32
      %add3A_61 = arith.addi %mul3A_2, %mul3A_60 : i32
      %dma_wait3A_62 = arith.constant 0 : i32
      %dma_wait3A_63 = tpu.memref_slice %arg2[%add3A_61, %dma_wait3A_62] : memref<262144x256xf32, #tpu.memory_space<hbm>> -> memref<32x256xf32, #tpu.memory_space<hbm>>
      %dma_wait3A_64 = arith.constant 0 : i32
      %dma_wait3A_65 = tpu.memref_slice %arg2[%add3A_61, %dma_wait3A_64] : memref<262144x256xf32, #tpu.memory_space<hbm>> -> memref<32x256xf32, #tpu.memory_space<hbm>>
      tpu.wait_dma2 semaphore(%arg12 : memref<!tpu.dma_semaphore, #tpu.memory_space<semaphore_mem>>) src(%dma_wait3A_65 : memref<32x256xf32, #tpu.memory_space<hbm>>) dst(%arg4 : memref<32x256xf32, #tpu.memory_space<vmem>>)
      %gt3A = arith.constant 0 : i32
      %gt3A_66 = arith.cmpi sgt, %scan3A_54, %gt3A : i32
      %convert_element_type3A = arith.extui %gt3A_66 : i1 to i32
      %cond3A = arith.constant 0 : i32
      %cond3A_67 = arith.cmpi ne, %convert_element_type3A, %cond3A : i32
      scf.if %cond3A_67 {
        %sub3A = arith.constant 4 : i32
        %sub3A_174 = arith.subi %add3A_58, %sub3A : i32
        %mul3A_175 = arith.constant 32 : i32
        %mul3A_176 = arith.muli %sub3A_174, %mul3A_175 : i32
        %add3A_177 = arith.addi %mul3A_2, %mul3A_176 : i32
        %dma_wait3A_178 = arith.constant 0 : i32
        %dma_wait3A_179 = tpu.memref_slice %arg3[%add3A_177, %dma_wait3A_178] : memref<262144x256xf32, #tpu.memory_space<hbm>> -> memref<32x256xf32, #tpu.memory_space<hbm>>
        %dma_wait3A_180 = arith.constant 0 : i32
        %dma_wait3A_181 = tpu.memref_slice %arg3[%add3A_177, %dma_wait3A_180] : memref<262144x256xf32, #tpu.memory_space<hbm>> -> memref<32x256xf32, #tpu.memory_space<hbm>>
        tpu.wait_dma2 semaphore(%arg16 : memref<!tpu.dma_semaphore, #tpu.memory_space<semaphore_mem>>) src(%arg8 : memref<32x256xf32, #tpu.memory_space<vmem>>) dst(%dma_wait3A_181 : memref<32x256xf32, #tpu.memory_space<hbm>>)
      } else {
      }
      %parallel_loop3A = arith.constant 0 : i32
      %parallel_loop3A_68 = arith.constant 32 : i32
      %parallel_loop3A_69 = arith.constant 1 : i32
      scf.for %parallel_loop3A_174 = %parallel_loop3A to %parallel_loop3A_68 step %parallel_loop3A_69  : i32 {
        %parallel_loop3A_175 = arith.index_cast %parallel_loop3A_174 : i32 to index
        %parallel_loop3A_176 = arith.constant 240 : index
        %parallel_loop3A_177 = tpu.vector_load %arg4[%parallel_loop3A_175, %parallel_loop3A_176] {strides = array<i32>} : memref<32x256xf32, #tpu.memory_space<vmem>>, vector<1x16xf32>,
        %parallel_loop3A_178 = vector.shape_cast %parallel_loop3A_177 : vector<1x16xf32> to vector<16xf32>
        %parallel_loop3A_179 = arith.constant 15 : i32
        %parallel_loop3A_180 = vector.broadcast %parallel_loop3A_179 : i32 to vector<16xi32>
        %parallel_loop3A_181 = tpu.iota {dimensions = array<i32: 0>} : vector<16xi32>
        %parallel_loop3A_182 = arith.subi %parallel_loop3A_180, %parallel_loop3A_181 : vector<16xi32>
        %parallel_loop3A_183 = tpu.dynamic_gather %parallel_loop3A_178[%parallel_loop3A_182] in [0] : vector<16xf32>, vector<16xi32> -> vector<16xf32>
        %parallel_loop3A_184 = arith.index_cast %parallel_loop3A_174 : i32 to index
        %parallel_loop3A_185 = arith.constant 0 : index
        %parallel_loop3A_186 = tpu.vector_load %arg8[%parallel_loop3A_184, %parallel_loop3A_185] {strides = array<i32>} : memref<32x256xf32, #tpu.memory_space<vmem>>, vector<1x16xf32>,
        %parallel_loop3A_187 = vector.shape_cast %parallel_loop3A_186 : vector<1x16xf32> to vector<16xf32>
        %parallel_loop3A_188 = vector.shape_cast %parallel_loop3A_183 : vector<16xf32> to vector<1x16xf32>
        tpu.vector_store %arg8[%parallel_loop3A_184, %parallel_loop3A_185], %parallel_loop3A_188 {strides = array<i32>} : memref<32x256xf32, #tpu.memory_space<vmem>>, vector<1x16xf32>,
        %parallel_loop3A_189 = arith.index_cast %parallel_loop3A_174 : i32 to index
        %parallel_loop3A_190 = arith.constant 224 : index
        %parallel_loop3A_191 = tpu.vector_load %arg4[%parallel_loop3A_189, %parallel_loop3A_190] {strides = array<i32>} : memref<32x256xf32, #tpu.memory_space<vmem>>, vector<1x16xf32>,
        %parallel_loop3A_192 = vector.shape_cast %parallel_loop3A_191 : vector<1x16xf32> to vector<16xf32>
        %parallel_loop3A_193 = arith.constant 15 : i32
        %parallel_loop3A_194 = vector.broadcast %parallel_loop3A_193 : i32 to vector<16xi32>
        %parallel_loop3A_195 = tpu.iota {dimensions = array<i32: 0>} : vector<16xi32>
        %parallel_loop3A_196 = arith.subi %parallel_loop3A_194, %parallel_loop3A_195 : vector<16xi32>
        %parallel_loop3A_197 = tpu.dynamic_gather %parallel_loop3A_192[%parallel_loop3A_196] in [0] : vector<16xf32>, vector<16xi32> -> vector<16xf32>
        %parallel_loop3A_198 = arith.index_cast %parallel_loop3A_174 : i32 to index
        %parallel_loop3A_199 = arith.constant 16 : index
        %parallel_loop3A_200 = tpu.vector_load %arg8[%parallel_loop3A_198, %parallel_loop3A_199] {strides = array<i32>} : memref<32x256xf32, #tpu.memory_space<vmem>>, vector<1x16xf32>,
        %parallel_loop3A_201 = vector.shape_cast %parallel_loop3A_200 : vector<1x16xf32> to vector<16xf32>
        %parallel_loop3A_202 = vector.shape_cast %parallel_loop3A_197 : vector<16xf32> to vector<1x16xf32>
        tpu.vector_store %arg8[%parallel_loop3A_198, %parallel_loop3A_199], %parallel_loop3A_202 {strides = array<i32>} : memref<32x256xf32, #tpu.memory_space<vmem>>, vector<1x16xf32>,
        %parallel_loop3A_203 = arith.index_cast %parallel_loop3A_174 : i32 to index
        %parallel_loop3A_204 = arith.constant 208 : index
        %parallel_loop3A_205 = tpu.vector_load %arg4[%parallel_loop3A_203, %parallel_loop3A_204] {strides = array<i32>} : memref<32x256xf32, #tpu.memory_space<vmem>>, vector<1x16xf32>,
        %parallel_loop3A_206 = vector.shape_cast %parallel_loop3A_205 : vector<1x16xf32> to vector<16xf32>
        %parallel_loop3A_207 = arith.constant 15 : i32
        %parallel_loop3A_208 = vector.broadcast %parallel_loop3A_207 : i32 to vector<16xi32>
        %parallel_loop3A_209 = tpu.iota {dimensions = array<i32: 0>} : vector<16xi32>
        %parallel_loop3A_210 = arith.subi %parallel_loop3A_208, %parallel_loop3A_209 : vector<16xi32>
        %parallel_loop3A_211 = tpu.dynamic_gather %parallel_loop3A_206[%parallel_loop3A_210] in [0] : vector<16xf32>, vector<16xi32> -> vector<16xf32>
        %parallel_loop3A_212 = arith.index_cast %parallel_loop3A_174 : i32 to index
        %parallel_loop3A_213 = arith.constant 32 : index
        %parallel_loop3A_214 = tpu.vector_load %arg8[%parallel_loop3A_212, %parallel_loop3A_213] {strides = array<i32>} : memref<32x256xf32, #tpu.memory_space<vmem>>, vector<1x16xf32>,
        %parallel_loop3A_215 = vector.shape_cast %parallel_loop3A_214 : vector<1x16xf32> to vector<16xf32>
        %parallel_loop3A_216 = vector.shape_cast %parallel_loop3A_211 : vector<16xf32> to vector<1x16xf32>
        tpu.vector_store %arg8[%parallel_loop3A_212, %parallel_loop3A_213], %parallel_loop3A_216 {strides = array<i32>} : memref<32x256xf32, #tpu.memory_space<vmem>>, vector<1x16xf32>,
        %parallel_loop3A_217 = arith.index_cast %parallel_loop3A_174 : i32 to index
        %parallel_loop3A_218 = arith.constant 192 : index
        %parallel_loop3A_219 = tpu.vector_load %arg4[%parallel_loop3A_217, %parallel_loop3A_218] {strides = array<i32>} : memref<32x256xf32, #tpu.memory_space<vmem>>, vector<1x16xf32>,
        %parallel_loop3A_220 = vector.shape_cast %parallel_loop3A_219 : vector<1x16xf32> to vector<16xf32>
        %parallel_loop3A_221 = arith.constant 15 : i32
        %parallel_loop3A_222 = vector.broadcast %parallel_loop3A_221 : i32 to vector<16xi32>
        %parallel_loop3A_223 = tpu.iota {dimensions = array<i32: 0>} : vector<16xi32>
        %parallel_loop3A_224 = arith.subi %parallel_loop3A_222, %parallel_loop3A_223 : vector<16xi32>
        %parallel_loop3A_225 = tpu.dynamic_gather %parallel_loop3A_220[%parallel_loop3A_224] in [0] : vector<16xf32>, vector<16xi32> -> vector<16xf32>
        %parallel_loop3A_226 = arith.index_cast %parallel_loop3A_174 : i32 to index
        %parallel_loop3A_227 = arith.constant 48 : index
        %parallel_loop3A_228 = tpu.vector_load %arg8[%parallel_loop3A_226, %parallel_loop3A_227] {strides = array<i32>} : memref<32x256xf32, #tpu.memory_space<vmem>>, vector<1x16xf32>,
        %parallel_loop3A_229 = vector.shape_cast %parallel_loop3A_228 : vector<1x16xf32> to vector<16xf32>
        %parallel_loop3A_230 = vector.shape_cast %parallel_loop3A_225 : vector<16xf32> to vector<1x16xf32>
        tpu.vector_store %arg8[%parallel_loop3A_226, %parallel_loop3A_227], %parallel_loop3A_230 {strides = array<i32>} : memref<32x256xf32, #tpu.memory_space<vmem>>, vector<1x16xf32>,
        %parallel_loop3A_231 = arith.index_cast %parallel_loop3A_174 : i32 to index
        %parallel_loop3A_232 = arith.constant 176 : index
        %parallel_loop3A_233 = tpu.vector_load %arg4[%parallel_loop3A_231, %parallel_loop3A_232] {strides = array<i32>} : memref<32x256xf32, #tpu.memory_space<vmem>>, vector<1x16xf32>,
        %parallel_loop3A_234 = vector.shape_cast %parallel_loop3A_233 : vector<1x16xf32> to vector<16xf32>
        %parallel_loop3A_235 = arith.constant 15 : i32
        %parallel_loop3A_236 = vector.broadcast %parallel_loop3A_235 : i32 to vector<16xi32>
        %parallel_loop3A_237 = tpu.iota {dimensions = array<i32: 0>} : vector<16xi32>
        %parallel_loop3A_238 = arith.subi %parallel_loop3A_236, %parallel_loop3A_237 : vector<16xi32>
        %parallel_loop3A_239 = tpu.dynamic_gather %parallel_loop3A_234[%parallel_loop3A_238] in [0] : vector<16xf32>, vector<16xi32> -> vector<16xf32>
        %parallel_loop3A_240 = arith.index_cast %parallel_loop3A_174 : i32 to index
        %parallel_loop3A_241 = arith.constant 64 : index
        %parallel_loop3A_242 = tpu.vector_load %arg8[%parallel_loop3A_240, %parallel_loop3A_241] {strides = array<i32>} : memref<32x256xf32, #tpu.memory_space<vmem>>, vector<1x16xf32>,
        %parallel_loop3A_243 = vector.shape_cast %parallel_loop3A_242 : vector<1x16xf32> to vector<16xf32>
        %parallel_loop3A_244 = vector.shape_cast %parallel_loop3A_239 : vector<16xf32> to vector<1x16xf32>
        tpu.vector_store %arg8[%parallel_loop3A_240, %parallel_loop3A_241], %parallel_loop3A_244 {strides = array<i32>} : memref<32x256xf32, #tpu.memory_space<vmem>>, vector<1x16xf32>,
        %parallel_loop3A_245 = arith.index_cast %parallel_loop3A_174 : i32 to index
        %parallel_loop3A_246 = arith.constant 160 : index
        %parallel_loop3A_247 = tpu.vector_load %arg4[%parallel_loop3A_245, %parallel_loop3A_246] {strides = array<i32>} : memref<32x256xf32, #tpu.memory_space<vmem>>, vector<1x16xf32>,
        %parallel_loop3A_248 = vector.shape_cast %parallel_loop3A_247 : vector<1x16xf32> to vector<16xf32>
        %parallel_loop3A_249 = arith.constant 15 : i32
        %parallel_loop3A_250 = vector.broadcast %parallel_loop3A_249 : i32 to vector<16xi32>
        %parallel_loop3A_251 = tpu.iota {dimensions = array<i32: 0>} : vector<16xi32>
        %parallel_loop3A_252 = arith.subi %parallel_loop3A_250, %parallel_loop3A_251 : vector<16xi32>
        %parallel_loop3A_253 = tpu.dynamic_gather %parallel_loop3A_248[%parallel_loop3A_252] in [0] : vector<16xf32>, vector<16xi32> -> vector<16xf32>
        %parallel_loop3A_254 = arith.index_cast %parallel_loop3A_174 : i32 to index
        %parallel_loop3A_255 = arith.constant 80 : index
        %parallel_loop3A_256 = tpu.vector_load %arg8[%parallel_loop3A_254, %parallel_loop3A_255] {strides = array<i32>} : memref<32x256xf32, #tpu.memory_space<vmem>>, vector<1x16xf32>,
        %parallel_loop3A_257 = vector.shape_cast %parallel_loop3A_256 : vector<1x16xf32> to vector<16xf32>
        %parallel_loop3A_258 = vector.shape_cast %parallel_loop3A_253 : vector<16xf32> to vector<1x16xf32>
        tpu.vector_store %arg8[%parallel_loop3A_254, %parallel_loop3A_255], %parallel_loop3A_258 {strides = array<i32>} : memref<32x256xf32, #tpu.memory_space<vmem>>, vector<1x16xf32>,
        %parallel_loop3A_259 = arith.index_cast %parallel_loop3A_174 : i32 to index
        %parallel_loop3A_260 = arith.constant 144 : index
        %parallel_loop3A_261 = tpu.vector_load %arg4[%parallel_loop3A_259, %parallel_loop3A_260] {strides = array<i32>} : memref<32x256xf32, #tpu.memory_space<vmem>>, vector<1x16xf32>,
        %parallel_loop3A_262 = vector.shape_cast %parallel_loop3A_261 : vector<1x16xf32> to vector<16xf32>
        %parallel_loop3A_263 = arith.constant 15 : i32
        %parallel_loop3A_264 = vector.broadcast %parallel_loop3A_263 : i32 to vector<16xi32>
        %parallel_loop3A_265 = tpu.iota {dimensions = array<i32: 0>} : vector<16xi32>
        %parallel_loop3A_266 = arith.subi %parallel_loop3A_264, %parallel_loop3A_265 : vector<16xi32>
        %parallel_loop3A_267 = tpu.dynamic_gather %parallel_loop3A_262[%parallel_loop3A_266] in [0] : vector<16xf32>, vector<16xi32> -> vector<16xf32>
        %parallel_loop3A_268 = arith.index_cast %parallel_loop3A_174 : i32 to index
        %parallel_loop3A_269 = arith.constant 96 : index
        %parallel_loop3A_270 = tpu.vector_load %arg8[%parallel_loop3A_268, %parallel_loop3A_269] {strides = array<i32>} : memref<32x256xf32, #tpu.memory_space<vmem>>, vector<1x16xf32>,
        %parallel_loop3A_271 = vector.shape_cast %parallel_loop3A_270 : vector<1x16xf32> to vector<16xf32>
        %parallel_loop3A_272 = vector.shape_cast %parallel_loop3A_267 : vector<16xf32> to vector<1x16xf32>
        tpu.vector_store %arg8[%parallel_loop3A_268, %parallel_loop3A_269], %parallel_loop3A_272 {strides = array<i32>} : memref<32x256xf32, #tpu.memory_space<vmem>>, vector<1x16xf32>,
        %parallel_loop3A_273 = arith.index_cast %parallel_loop3A_174 : i32 to index
        %parallel_loop3A_274 = arith.constant 128 : index
        %parallel_loop3A_275 = tpu.vector_load %arg4[%parallel_loop3A_273, %parallel_loop3A_274] {strides = array<i32>} : memref<32x256xf32, #tpu.memory_space<vmem>>, vector<1x16xf32>,
        %parallel_loop3A_276 = vector.shape_cast %parallel_loop3A_275 : vector<1x16xf32> to vector<16xf32>
        %parallel_loop3A_277 = arith.constant 15 : i32
        %parallel_loop3A_278 = vector.broadcast %parallel_loop3A_277 : i32 to vector<16xi32>
        %parallel_loop3A_279 = tpu.iota {dimensions = array<i32: 0>} : vector<16xi32>
        %parallel_loop3A_280 = arith.subi %parallel_loop3A_278, %parallel_loop3A_279 : vector<16xi32>
        %parallel_loop3A_281 = tpu.dynamic_gather %parallel_loop3A_276[%parallel_loop3A_280] in [0] : vector<16xf32>, vector<16xi32> -> vector<16xf32>
        %parallel_loop3A_282 = arith.index_cast %parallel_loop3A_174 : i32 to index
        %parallel_loop3A_283 = arith.constant 112 : index
        %parallel_loop3A_284 = tpu.vector_load %arg8[%parallel_loop3A_282, %parallel_loop3A_283] {strides = array<i32>} : memref<32x256xf32, #tpu.memory_space<vmem>>, vector<1x16xf32>,
        %parallel_loop3A_285 = vector.shape_cast %parallel_loop3A_284 : vector<1x16xf32> to vector<16xf32>
        %parallel_loop3A_286 = vector.shape_cast %parallel_loop3A_281 : vector<16xf32> to vector<1x16xf32>
        tpu.vector_store %arg8[%parallel_loop3A_282, %parallel_loop3A_283], %parallel_loop3A_286 {strides = array<i32>} : memref<32x256xf32, #tpu.memory_space<vmem>>, vector<1x16xf32>,
        %parallel_loop3A_287 = arith.index_cast %parallel_loop3A_174 : i32 to index
        %parallel_loop3A_288 = arith.constant 112 : index
        %parallel_loop3A_289 = tpu.vector_load %arg4[%parallel_loop3A_287, %parallel_loop3A_288] {strides = array<i32>} : memref<32x256xf32, #tpu.memory_space<vmem>>, vector<1x16xf32>,
        %parallel_loop3A_290 = vector.shape_cast %parallel_loop3A_289 : vector<1x16xf32> to vector<16xf32>
        %parallel_loop3A_291 = arith.constant 15 : i32
        %parallel_loop3A_292 = vector.broadcast %parallel_loop3A_291 : i32 to vector<16xi32>
        %parallel_loop3A_293 = tpu.iota {dimensions = array<i32: 0>} : vector<16xi32>
        %parallel_loop3A_294 = arith.subi %parallel_loop3A_292, %parallel_loop3A_293 : vector<16xi32>
        %parallel_loop3A_295 = tpu.dynamic_gather %parallel_loop3A_290[%parallel_loop3A_294] in [0] : vector<16xf32>, vector<16xi32> -> vector<16xf32>
        %parallel_loop3A_296 = arith.index_cast %parallel_loop3A_174 : i32 to index
        %parallel_loop3A_297 = arith.constant 128 : index
        %parallel_loop3A_298 = tpu.vector_load %arg8[%parallel_loop3A_296, %parallel_loop3A_297] {strides = array<i32>} : memref<32x256xf32, #tpu.memory_space<vmem>>, vector<1x16xf32>,
        %parallel_loop3A_299 = vector.shape_cast %parallel_loop3A_298 : vector<1x16xf32> to vector<16xf32>
        %parallel_loop3A_300 = vector.shape_cast %parallel_loop3A_295 : vector<16xf32> to vector<1x16xf32>
        tpu.vector_store %arg8[%parallel_loop3A_296, %parallel_loop3A_297], %parallel_loop3A_300 {strides = array<i32>} : memref<32x256xf32, #tpu.memory_space<vmem>>, vector<1x16xf32>,
        %parallel_loop3A_301 = arith.index_cast %parallel_loop3A_174 : i32 to index
        %parallel_loop3A_302 = arith.constant 96 : index
        %parallel_loop3A_303 = tpu.vector_load %arg4[%parallel_loop3A_301, %parallel_loop3A_302] {strides = array<i32>} : memref<32x256xf32, #tpu.memory_space<vmem>>, vector<1x16xf32>,
        %parallel_loop3A_304 = vector.shape_cast %parallel_loop3A_303 : vector<1x16xf32> to vector<16xf32>
        %parallel_loop3A_305 = arith.constant 15 : i32
        %parallel_loop3A_306 = vector.broadcast %parallel_loop3A_305 : i32 to vector<16xi32>
        %parallel_loop3A_307 = tpu.iota {dimensions = array<i32: 0>} : vector<16xi32>
        %parallel_loop3A_308 = arith.subi %parallel_loop3A_306, %parallel_loop3A_307 : vector<16xi32>
        %parallel_loop3A_309 = tpu.dynamic_gather %parallel_loop3A_304[%parallel_loop3A_308] in [0] : vector<16xf32>, vector<16xi32> -> vector<16xf32>
        %parallel_loop3A_310 = arith.index_cast %parallel_loop3A_174 : i32 to index
        %parallel_loop3A_311 = arith.constant 144 : index
        %parallel_loop3A_312 = tpu.vector_load %arg8[%parallel_loop3A_310, %parallel_loop3A_311] {strides = array<i32>} : memref<32x256xf32, #tpu.memory_space<vmem>>, vector<1x16xf32>,
        %parallel_loop3A_313 = vector.shape_cast %parallel_loop3A_312 : vector<1x16xf32> to vector<16xf32>
        %parallel_loop3A_314 = vector.shape_cast %parallel_loop3A_309 : vector<16xf32> to vector<1x16xf32>
        tpu.vector_store %arg8[%parallel_loop3A_310, %parallel_loop3A_311], %parallel_loop3A_314 {strides = array<i32>} : memref<32x256xf32, #tpu.memory_space<vmem>>, vector<1x16xf32>,
        %parallel_loop3A_315 = arith.index_cast %parallel_loop3A_174 : i32 to index
        %parallel_loop3A_316 = arith.constant 80 : index
        %parallel_loop3A_317 = tpu.vector_load %arg4[%parallel_loop3A_315, %parallel_loop3A_316] {strides = array<i32>} : memref<32x256xf32, #tpu.memory_space<vmem>>, vector<1x16xf32>,
        %parallel_loop3A_318 = vector.shape_cast %parallel_loop3A_317 : vector<1x16xf32> to vector<16xf32>
        %parallel_loop3A_319 = arith.constant 15 : i32
        %parallel_loop3A_320 = vector.broadcast %parallel_loop3A_319 : i32 to vector<16xi32>
        %parallel_loop3A_321 = tpu.iota {dimensions = array<i32: 0>} : vector<16xi32>
        %parallel_loop3A_322 = arith.subi %parallel_loop3A_320, %parallel_loop3A_321 : vector<16xi32>
        %parallel_loop3A_323 = tpu.dynamic_gather %parallel_loop3A_318[%parallel_loop3A_322] in [0] : vector<16xf32>, vector<16xi32> -> vector<16xf32>
        %parallel_loop3A_324 = arith.index_cast %parallel_loop3A_174 : i32 to index
        %parallel_loop3A_325 = arith.constant 160 : index
        %parallel_loop3A_326 = tpu.vector_load %arg8[%parallel_loop3A_324, %parallel_loop3A_325] {strides = array<i32>} : memref<32x256xf32, #tpu.memory_space<vmem>>, vector<1x16xf32>,
        %parallel_loop3A_327 = vector.shape_cast %parallel_loop3A_326 : vector<1x16xf32> to vector<16xf32>
        %parallel_loop3A_328 = vector.shape_cast %parallel_loop3A_323 : vector<16xf32> to vector<1x16xf32>
        tpu.vector_store %arg8[%parallel_loop3A_324, %parallel_loop3A_325], %parallel_loop3A_328 {strides = array<i32>} : memref<32x256xf32, #tpu.memory_space<vmem>>, vector<1x16xf32>,
        %parallel_loop3A_329 = arith.index_cast %parallel_loop3A_174 : i32 to index
        %parallel_loop3A_330 = arith.constant 64 : index
        %parallel_loop3A_331 = tpu.vector_load %arg4[%parallel_loop3A_329, %parallel_loop3A_330] {strides = array<i32>} : memref<32x256xf32, #tpu.memory_space<vmem>>, vector<1x16xf32>,
        %parallel_loop3A_332 = vector.shape_cast %parallel_loop3A_331 : vector<1x16xf32> to vector<16xf32>
        %parallel_loop3A_333 = arith.constant 15 : i32
        %parallel_loop3A_334 = vector.broadcast %parallel_loop3A_333 : i32 to vector<16xi32>
        %parallel_loop3A_335 = tpu.iota {dimensions = array<i32: 0>} : vector<16xi32>
        %parallel_loop3A_336 = arith.subi %parallel_loop3A_334, %parallel_loop3A_335 : vector<16xi32>
        %parallel_loop3A_337 = tpu.dynamic_gather %parallel_loop3A_332[%parallel_loop3A_336] in [0] : vector<16xf32>, vector<16xi32> -> vector<16xf32>
        %parallel_loop3A_338 = arith.index_cast %parallel_loop3A_174 : i32 to index
        %parallel_loop3A_339 = arith.constant 176 : index
        %parallel_loop3A_340 = tpu.vector_load %arg8[%parallel_loop3A_338, %parallel_loop3A_339] {strides = array<i32>} : memref<32x256xf32, #tpu.memory_space<vmem>>, vector<1x16xf32>,
        %parallel_loop3A_341 = vector.shape_cast %parallel_loop3A_340 : vector<1x16xf32> to vector<16xf32>
        %parallel_loop3A_342 = vector.shape_cast %parallel_loop3A_337 : vector<16xf32> to vector<1x16xf32>
        tpu.vector_store %arg8[%parallel_loop3A_338, %parallel_loop3A_339], %parallel_loop3A_342 {strides = array<i32>} : memref<32x256xf32, #tpu.memory_space<vmem>>, vector<1x16xf32>,
        %parallel_loop3A_343 = arith.index_cast %parallel_loop3A_174 : i32 to index
        %parallel_loop3A_344 = arith.constant 48 : index
        %parallel_loop3A_345 = tpu.vector_load %arg4[%parallel_loop3A_343, %parallel_loop3A_344] {strides = array<i32>} : memref<32x256xf32, #tpu.memory_space<vmem>>, vector<1x16xf32>,
        %parallel_loop3A_346 = vector.shape_cast %parallel_loop3A_345 : vector<1x16xf32> to vector<16xf32>
        %parallel_loop3A_347 = arith.constant 15 : i32
        %parallel_loop3A_348 = vector.broadcast %parallel_loop3A_347 : i32 to vector<16xi32>
        %parallel_loop3A_349 = tpu.iota {dimensions = array<i32: 0>} : vector<16xi32>
        %parallel_loop3A_350 = arith.subi %parallel_loop3A_348, %parallel_loop3A_349 : vector<16xi32>
        %parallel_loop3A_351 = tpu.dynamic_gather %parallel_loop3A_346[%parallel_loop3A_350] in [0] : vector<16xf32>, vector<16xi32> -> vector<16xf32>
        %parallel_loop3A_352 = arith.index_cast %parallel_loop3A_174 : i32 to index
        %parallel_loop3A_353 = arith.constant 192 : index
        %parallel_loop3A_354 = tpu.vector_load %arg8[%parallel_loop3A_352, %parallel_loop3A_353] {strides = array<i32>} : memref<32x256xf32, #tpu.memory_space<vmem>>, vector<1x16xf32>,
        %parallel_loop3A_355 = vector.shape_cast %parallel_loop3A_354 : vector<1x16xf32> to vector<16xf32>
        %parallel_loop3A_356 = vector.shape_cast %parallel_loop3A_351 : vector<16xf32> to vector<1x16xf32>
        tpu.vector_store %arg8[%parallel_loop3A_352, %parallel_loop3A_353], %parallel_loop3A_356 {strides = array<i32>} : memref<32x256xf32, #tpu.memory_space<vmem>>, vector<1x16xf32>,
        %parallel_loop3A_357 = arith.index_cast %parallel_loop3A_174 : i32 to index
        %parallel_loop3A_358 = arith.constant 32 : index
        %parallel_loop3A_359 = tpu.vector_load %arg4[%parallel_loop3A_357, %parallel_loop3A_358] {strides = array<i32>} : memref<32x256xf32, #tpu.memory_space<vmem>>, vector<1x16xf32>,
        %parallel_loop3A_360 = vector.shape_cast %parallel_loop3A_359 : vector<1x16xf32> to vector<16xf32>
        %parallel_loop3A_361 = arith.constant 15 : i32
        %parallel_loop3A_362 = vector.broadcast %parallel_loop3A_361 : i32 to vector<16xi32>
        %parallel_loop3A_363 = tpu.iota {dimensions = array<i32: 0>} : vector<16xi32>
        %parallel_loop3A_364 = arith.subi %parallel_loop3A_362, %parallel_loop3A_363 : vector<16xi32>
        %parallel_loop3A_365 = tpu.dynamic_gather %parallel_loop3A_360[%parallel_loop3A_364] in [0] : vector<16xf32>, vector<16xi32> -> vector<16xf32>
        %parallel_loop3A_366 = arith.index_cast %parallel_loop3A_174 : i32 to index
        %parallel_loop3A_367 = arith.constant 208 : index
        %parallel_loop3A_368 = tpu.vector_load %arg8[%parallel_loop3A_366, %parallel_loop3A_367] {strides = array<i32>} : memref<32x256xf32, #tpu.memory_space<vmem>>, vector<1x16xf32>,
        %parallel_loop3A_369 = vector.shape_cast %parallel_loop3A_368 : vector<1x16xf32> to vector<16xf32>
        %parallel_loop3A_370 = vector.shape_cast %parallel_loop3A_365 : vector<16xf32> to vector<1x16xf32>
        tpu.vector_store %arg8[%parallel_loop3A_366, %parallel_loop3A_367], %parallel_loop3A_370 {strides = array<i32>} : memref<32x256xf32, #tpu.memory_space<vmem>>, vector<1x16xf32>,
        %parallel_loop3A_371 = arith.index_cast %parallel_loop3A_174 : i32 to index
        %parallel_loop3A_372 = arith.constant 16 : index
        %parallel_loop3A_373 = tpu.vector_load %arg4[%parallel_loop3A_371, %parallel_loop3A_372] {strides = array<i32>} : memref<32x256xf32, #tpu.memory_space<vmem>>, vector<1x16xf32>,
        %parallel_loop3A_374 = vector.shape_cast %parallel_loop3A_373 : vector<1x16xf32> to vector<16xf32>
        %parallel_loop3A_375 = arith.constant 15 : i32
        %parallel_loop3A_376 = vector.broadcast %parallel_loop3A_375 : i32 to vector<16xi32>
        %parallel_loop3A_377 = tpu.iota {dimensions = array<i32: 0>} : vector<16xi32>
        %parallel_loop3A_378 = arith.subi %parallel_loop3A_376, %parallel_loop3A_377 : vector<16xi32>
        %parallel_loop3A_379 = tpu.dynamic_gather %parallel_loop3A_374[%parallel_loop3A_378] in [0] : vector<16xf32>, vector<16xi32> -> vector<16xf32>
        %parallel_loop3A_380 = arith.index_cast %parallel_loop3A_174 : i32 to index
        %parallel_loop3A_381 = arith.constant 224 : index
        %parallel_loop3A_382 = tpu.vector_load %arg8[%parallel_loop3A_380, %parallel_loop3A_381] {strides = array<i32>} : memref<32x256xf32, #tpu.memory_space<vmem>>, vector<1x16xf32>,
        %parallel_loop3A_383 = vector.shape_cast %parallel_loop3A_382 : vector<1x16xf32> to vector<16xf32>
        %parallel_loop3A_384 = vector.shape_cast %parallel_loop3A_379 : vector<16xf32> to vector<1x16xf32>
        tpu.vector_store %arg8[%parallel_loop3A_380, %parallel_loop3A_381], %parallel_loop3A_384 {strides = array<i32>} : memref<32x256xf32, #tpu.memory_space<vmem>>, vector<1x16xf32>,
        %parallel_loop3A_385 = arith.index_cast %parallel_loop3A_174 : i32 to index
        %parallel_loop3A_386 = arith.constant 0 : index
        %parallel_loop3A_387 = tpu.vector_load %arg4[%parallel_loop3A_385, %parallel_loop3A_386] {strides = array<i32>} : memref<32x256xf32, #tpu.memory_space<vmem>>, vector<1x16xf32>,
        %parallel_loop3A_388 = vector.shape_cast %parallel_loop3A_387 : vector<1x16xf32> to vector<16xf32>
        %parallel_loop3A_389 = arith.constant 15 : i32
        %parallel_loop3A_390 = vector.broadcast %parallel_loop3A_389 : i32 to vector<16xi32>
        %parallel_loop3A_391 = tpu.iota {dimensions = array<i32: 0>} : vector<16xi32>
        %parallel_loop3A_392 = arith.subi %parallel_loop3A_390, %parallel_loop3A_391 : vector<16xi32>
        %parallel_loop3A_393 = tpu.dynamic_gather %parallel_loop3A_388[%parallel_loop3A_392] in [0] : vector<16xf32>, vector<16xi32> -> vector<16xf32>
        %parallel_loop3A_394 = arith.index_cast %parallel_loop3A_174 : i32 to index
        %parallel_loop3A_395 = arith.constant 240 : index
        %parallel_loop3A_396 = tpu.vector_load %arg8[%parallel_loop3A_394, %parallel_loop3A_395] {strides = array<i32>} : memref<32x256xf32, #tpu.memory_space<vmem>>, vector<1x16xf32>,
        %parallel_loop3A_397 = vector.shape_cast %parallel_loop3A_396 : vector<1x16xf32> to vector<16xf32>
        %parallel_loop3A_398 = vector.shape_cast %parallel_loop3A_393 : vector<16xf32> to vector<1x16xf32>
        tpu.vector_store %arg8[%parallel_loop3A_394, %parallel_loop3A_395], %parallel_loop3A_398 {strides = array<i32>} : memref<32x256xf32, #tpu.memory_space<vmem>>, vector<1x16xf32>,
      } {sc.loop_unroll_factor = 1 : i64, sc.parallel_access}
      %mul3A_70 = arith.constant 32 : i32
      %mul3A_71 = arith.muli %add3A_58, %mul3A_70 : i32
      %add3A_72 = arith.addi %mul3A_2, %mul3A_71 : i32
      %dma_start3A_73 = arith.constant 0 : i32
      %dma_start3A_74 = tpu.memref_slice %arg3[%add3A_72, %dma_start3A_73] : memref<262144x256xf32, #tpu.memory_space<hbm>> -> memref<32x256xf32, #tpu.memory_space<hbm>>
      %dma_start3A_75 = arith.constant 0 : i32
      %dma_start3A_76 = tpu.memref_slice %arg3[%add3A_72, %dma_start3A_75] : memref<262144x256xf32, #tpu.memory_space<hbm>> -> memref<32x256xf32, #tpu.memory_space<hbm>>
      tpu.enqueue_dma source(%arg8 : memref<32x256xf32, #tpu.memory_space<vmem>>) target(%dma_start3A_76 : memref<32x256xf32, #tpu.memory_space<hbm>>) target_semaphore(%arg16 : memref<!tpu.dma_semaphore, #tpu.memory_space<semaphore_mem>>)
      %lt3A = arith.constant 63 : i32
      %lt3A_77 = arith.cmpi slt, %scan3A_54, %lt3A : i32
      %convert_element_type3A_78 = arith.extui %lt3A_77 : i1 to i32
      %cond3A_79 = arith.constant 0 : i32
      %cond3A_80 = arith.cmpi ne, %convert_element_type3A_78, %cond3A_79 : i32
      scf.if %cond3A_80 {
        %add3A_174 = arith.constant 4 : i32
        %add3A_175 = arith.addi %add3A_58, %add3A_174 : i32
        %mul3A_176 = arith.constant 32 : i32
        %mul3A_177 = arith.muli %add3A_175, %mul3A_176 : i32
        %add3A_178 = arith.addi %mul3A_2, %mul3A_177 : i32
        %dma_start3A_179 = arith.constant 0 : i32
        %dma_start3A_180 = tpu.memref_slice %arg2[%add3A_178, %dma_start3A_179] : memref<262144x256xf32, #tpu.memory_space<hbm>> -> memref<32x256xf32, #tpu.memory_space<hbm>>
        %dma_start3A_181 = arith.constant 0 : i32
        %dma_start3A_182 = tpu.memref_slice %arg2[%add3A_178, %dma_start3A_181] : memref<262144x256xf32, #tpu.memory_space<hbm>> -> memref<32x256xf32, #tpu.memory_space<hbm>>
        tpu.enqueue_dma source(%dma_start3A_182 : memref<32x256xf32, #tpu.memory_space<hbm>>) target(%arg4 : memref<32x256xf32, #tpu.memory_space<vmem>>) target_semaphore(%arg12 : memref<!tpu.dma_semaphore, #tpu.memory_space<semaphore_mem>>)
      } else {
      }
      %mul3A_81 = arith.constant 4 : i32
      %mul3A_82 = arith.muli %scan3A_54, %mul3A_81 : i32
      %add3A_83 = arith.constant 1 : i32
      %add3A_84 = arith.addi %mul3A_82, %add3A_83 : i32
      %mul3A_85 = arith.constant 32 : i32
      %mul3A_86 = arith.muli %add3A_84, %mul3A_85 : i32
      %add3A_87 = arith.addi %mul3A_2, %mul3A_86 : i32
      %dma_wait3A_88 = arith.constant 0 : i32
      %dma_wait3A_89 = tpu.memref_slice %arg2[%add3A_87, %dma_wait3A_88] : memref<262144x256xf32, #tpu.memory_space<hbm>> -> memref<32x256xf32, #tpu.memory_space<hbm>>
      %dma_wait3A_90 = arith.constant 0 : i32
      %dma_wait3A_91 = tpu.memref_slice %arg2[%add3A_87, %dma_wait3A_90] : memref<262144x256xf32, #tpu.memory_space<hbm>> -> memref<32x256xf32, #tpu.memory_space<hbm>>
      tpu.wait_dma2 semaphore(%arg13 : memref<!tpu.dma_semaphore, #tpu.memory_space<semaphore_mem>>) src(%dma_wait3A_91 : memref<32x256xf32, #tpu.memory_space<hbm>>) dst(%arg5 : memref<32x256xf32, #tpu.memory_space<vmem>>)
      %gt3A_92 = arith.constant 0 : i32
      %gt3A_93 = arith.cmpi sgt, %scan3A_54, %gt3A_92 : i32
      %convert_element_type3A_94 = arith.extui %gt3A_93 : i1 to i32
      %cond3A_95 = arith.constant 0 : i32
      %cond3A_96 = arith.cmpi ne, %convert_element_type3A_94, %cond3A_95 : i32
      scf.if %cond3A_96 {
        %sub3A = arith.constant 4 : i32
        %sub3A_174 = arith.subi %add3A_84, %sub3A : i32
        %mul3A_175 = arith.constant 32 : i32
        %mul3A_176 = arith.muli %sub3A_174, %mul3A_175 : i32
        %add3A_177 = arith.addi %mul3A_2, %mul3A_176 : i32
        %dma_wait3A_178 = arith.constant 0 : i32
        %dma_wait3A_179 = tpu.memref_slice %arg3[%add3A_177, %dma_wait3A_178] : memref<262144x256xf32, #tpu.memory_space<hbm>> -> memref<32x256xf32, #tpu.memory_space<hbm>>
        %dma_wait3A_180 = arith.constant 0 : i32
        %dma_wait3A_181 = tpu.memref_slice %arg3[%add3A_177, %dma_wait3A_180] : memref<262144x256xf32, #tpu.memory_space<hbm>> -> memref<32x256xf32, #tpu.memory_space<hbm>>
        tpu.wait_dma2 semaphore(%arg17 : memref<!tpu.dma_semaphore, #tpu.memory_space<semaphore_mem>>) src(%arg9 : memref<32x256xf32, #tpu.memory_space<vmem>>) dst(%dma_wait3A_181 : memref<32x256xf32, #tpu.memory_space<hbm>>)
      } else {
      }
      %parallel_loop3A_97 = arith.constant 0 : i32
      %parallel_loop3A_98 = arith.constant 32 : i32
      %parallel_loop3A_99 = arith.constant 1 : i32
      scf.for %parallel_loop3A_174 = %parallel_loop3A_97 to %parallel_loop3A_98 step %parallel_loop3A_99  : i32 {
        %parallel_loop3A_175 = arith.index_cast %parallel_loop3A_174 : i32 to index
        %parallel_loop3A_176 = arith.constant 240 : index
        %parallel_loop3A_177 = tpu.vector_load %arg5[%parallel_loop3A_175, %parallel_loop3A_176] {strides = array<i32>} : memref<32x256xf32, #tpu.memory_space<vmem>>, vector<1x16xf32>,
        %parallel_loop3A_178 = vector.shape_cast %parallel_loop3A_177 : vector<1x16xf32> to vector<16xf32>
        %parallel_loop3A_179 = arith.constant 15 : i32
        %parallel_loop3A_180 = vector.broadcast %parallel_loop3A_179 : i32 to vector<16xi32>
        %parallel_loop3A_181 = tpu.iota {dimensions = array<i32: 0>} : vector<16xi32>
        %parallel_loop3A_182 = arith.subi %parallel_loop3A_180, %parallel_loop3A_181 : vector<16xi32>
        %parallel_loop3A_183 = tpu.dynamic_gather %parallel_loop3A_178[%parallel_loop3A_182] in [0] : vector<16xf32>, vector<16xi32> -> vector<16xf32>
        %parallel_loop3A_184 = arith.index_cast %parallel_loop3A_174 : i32 to index
        %parallel_loop3A_185 = arith.constant 0 : index
        %parallel_loop3A_186 = tpu.vector_load %arg9[%parallel_loop3A_184, %parallel_loop3A_185] {strides = array<i32>} : memref<32x256xf32, #tpu.memory_space<vmem>>, vector<1x16xf32>,
        %parallel_loop3A_187 = vector.shape_cast %parallel_loop3A_186 : vector<1x16xf32> to vector<16xf32>
        %parallel_loop3A_188 = vector.shape_cast %parallel_loop3A_183 : vector<16xf32> to vector<1x16xf32>
        tpu.vector_store %arg9[%parallel_loop3A_184, %parallel_loop3A_185], %parallel_loop3A_188 {strides = array<i32>} : memref<32x256xf32, #tpu.memory_space<vmem>>, vector<1x16xf32>,
        %parallel_loop3A_189 = arith.index_cast %parallel_loop3A_174 : i32 to index
        %parallel_loop3A_190 = arith.constant 224 : index
        %parallel_loop3A_191 = tpu.vector_load %arg5[%parallel_loop3A_189, %parallel_loop3A_190] {strides = array<i32>} : memref<32x256xf32, #tpu.memory_space<vmem>>, vector<1x16xf32>,
        %parallel_loop3A_192 = vector.shape_cast %parallel_loop3A_191 : vector<1x16xf32> to vector<16xf32>
        %parallel_loop3A_193 = arith.constant 15 : i32
        %parallel_loop3A_194 = vector.broadcast %parallel_loop3A_193 : i32 to vector<16xi32>
        %parallel_loop3A_195 = tpu.iota {dimensions = array<i32: 0>} : vector<16xi32>
        %parallel_loop3A_196 = arith.subi %parallel_loop3A_194, %parallel_loop3A_195 : vector<16xi32>
        %parallel_loop3A_197 = tpu.dynamic_gather %parallel_loop3A_192[%parallel_loop3A_196] in [0] : vector<16xf32>, vector<16xi32> -> vector<16xf32>
        %parallel_loop3A_198 = arith.index_cast %parallel_loop3A_174 : i32 to index
        %parallel_loop3A_199 = arith.constant 16 : index
        %parallel_loop3A_200 = tpu.vector_load %arg9[%parallel_loop3A_198, %parallel_loop3A_199] {strides = array<i32>} : memref<32x256xf32, #tpu.memory_space<vmem>>, vector<1x16xf32>,
        %parallel_loop3A_201 = vector.shape_cast %parallel_loop3A_200 : vector<1x16xf32> to vector<16xf32>
        %parallel_loop3A_202 = vector.shape_cast %parallel_loop3A_197 : vector<16xf32> to vector<1x16xf32>
        tpu.vector_store %arg9[%parallel_loop3A_198, %parallel_loop3A_199], %parallel_loop3A_202 {strides = array<i32>} : memref<32x256xf32, #tpu.memory_space<vmem>>, vector<1x16xf32>,
        %parallel_loop3A_203 = arith.index_cast %parallel_loop3A_174 : i32 to index
        %parallel_loop3A_204 = arith.constant 208 : index
        %parallel_loop3A_205 = tpu.vector_load %arg5[%parallel_loop3A_203, %parallel_loop3A_204] {strides = array<i32>} : memref<32x256xf32, #tpu.memory_space<vmem>>, vector<1x16xf32>,
        %parallel_loop3A_206 = vector.shape_cast %parallel_loop3A_205 : vector<1x16xf32> to vector<16xf32>
        %parallel_loop3A_207 = arith.constant 15 : i32
        %parallel_loop3A_208 = vector.broadcast %parallel_loop3A_207 : i32 to vector<16xi32>
        %parallel_loop3A_209 = tpu.iota {dimensions = array<i32: 0>} : vector<16xi32>
        %parallel_loop3A_210 = arith.subi %parallel_loop3A_208, %parallel_loop3A_209 : vector<16xi32>
        %parallel_loop3A_211 = tpu.dynamic_gather %parallel_loop3A_206[%parallel_loop3A_210] in [0] : vector<16xf32>, vector<16xi32> -> vector<16xf32>
        %parallel_loop3A_212 = arith.index_cast %parallel_loop3A_174 : i32 to index
        %parallel_loop3A_213 = arith.constant 32 : index
        %parallel_loop3A_214 = tpu.vector_load %arg9[%parallel_loop3A_212, %parallel_loop3A_213] {strides = array<i32>} : memref<32x256xf32, #tpu.memory_space<vmem>>, vector<1x16xf32>,
        %parallel_loop3A_215 = vector.shape_cast %parallel_loop3A_214 : vector<1x16xf32> to vector<16xf32>
        %parallel_loop3A_216 = vector.shape_cast %parallel_loop3A_211 : vector<16xf32> to vector<1x16xf32>
        tpu.vector_store %arg9[%parallel_loop3A_212, %parallel_loop3A_213], %parallel_loop3A_216 {strides = array<i32>} : memref<32x256xf32, #tpu.memory_space<vmem>>, vector<1x16xf32>,
        %parallel_loop3A_217 = arith.index_cast %parallel_loop3A_174 : i32 to index
        %parallel_loop3A_218 = arith.constant 192 : index
        %parallel_loop3A_219 = tpu.vector_load %arg5[%parallel_loop3A_217, %parallel_loop3A_218] {strides = array<i32>} : memref<32x256xf32, #tpu.memory_space<vmem>>, vector<1x16xf32>,
        %parallel_loop3A_220 = vector.shape_cast %parallel_loop3A_219 : vector<1x16xf32> to vector<16xf32>
        %parallel_loop3A_221 = arith.constant 15 : i32
        %parallel_loop3A_222 = vector.broadcast %parallel_loop3A_221 : i32 to vector<16xi32>
        %parallel_loop3A_223 = tpu.iota {dimensions = array<i32: 0>} : vector<16xi32>
        %parallel_loop3A_224 = arith.subi %parallel_loop3A_222, %parallel_loop3A_223 : vector<16xi32>
        %parallel_loop3A_225 = tpu.dynamic_gather %parallel_loop3A_220[%parallel_loop3A_224] in [0] : vector<16xf32>, vector<16xi32> -> vector<16xf32>
        %parallel_loop3A_226 = arith.index_cast %parallel_loop3A_174 : i32 to index
        %parallel_loop3A_227 = arith.constant 48 : index
        %parallel_loop3A_228 = tpu.vector_load %arg9[%parallel_loop3A_226, %parallel_loop3A_227] {strides = array<i32>} : memref<32x256xf32, #tpu.memory_space<vmem>>, vector<1x16xf32>,
        %parallel_loop3A_229 = vector.shape_cast %parallel_loop3A_228 : vector<1x16xf32> to vector<16xf32>
        %parallel_loop3A_230 = vector.shape_cast %parallel_loop3A_225 : vector<16xf32> to vector<1x16xf32>
        tpu.vector_store %arg9[%parallel_loop3A_226, %parallel_loop3A_227], %parallel_loop3A_230 {strides = array<i32>} : memref<32x256xf32, #tpu.memory_space<vmem>>, vector<1x16xf32>,
        %parallel_loop3A_231 = arith.index_cast %parallel_loop3A_174 : i32 to index
        %parallel_loop3A_232 = arith.constant 176 : index
        %parallel_loop3A_233 = tpu.vector_load %arg5[%parallel_loop3A_231, %parallel_loop3A_232] {strides = array<i32>} : memref<32x256xf32, #tpu.memory_space<vmem>>, vector<1x16xf32>,
        %parallel_loop3A_234 = vector.shape_cast %parallel_loop3A_233 : vector<1x16xf32> to vector<16xf32>
        %parallel_loop3A_235 = arith.constant 15 : i32
        %parallel_loop3A_236 = vector.broadcast %parallel_loop3A_235 : i32 to vector<16xi32>
        %parallel_loop3A_237 = tpu.iota {dimensions = array<i32: 0>} : vector<16xi32>
        %parallel_loop3A_238 = arith.subi %parallel_loop3A_236, %parallel_loop3A_237 : vector<16xi32>
        %parallel_loop3A_239 = tpu.dynamic_gather %parallel_loop3A_234[%parallel_loop3A_238] in [0] : vector<16xf32>, vector<16xi32> -> vector<16xf32>
        %parallel_loop3A_240 = arith.index_cast %parallel_loop3A_174 : i32 to index
        %parallel_loop3A_241 = arith.constant 64 : index
        %parallel_loop3A_242 = tpu.vector_load %arg9[%parallel_loop3A_240, %parallel_loop3A_241] {strides = array<i32>} : memref<32x256xf32, #tpu.memory_space<vmem>>, vector<1x16xf32>,
        %parallel_loop3A_243 = vector.shape_cast %parallel_loop3A_242 : vector<1x16xf32> to vector<16xf32>
        %parallel_loop3A_244 = vector.shape_cast %parallel_loop3A_239 : vector<16xf32> to vector<1x16xf32>
        tpu.vector_store %arg9[%parallel_loop3A_240, %parallel_loop3A_241], %parallel_loop3A_244 {strides = array<i32>} : memref<32x256xf32, #tpu.memory_space<vmem>>, vector<1x16xf32>,
        %parallel_loop3A_245 = arith.index_cast %parallel_loop3A_174 : i32 to index
        %parallel_loop3A_246 = arith.constant 160 : index
        %parallel_loop3A_247 = tpu.vector_load %arg5[%parallel_loop3A_245, %parallel_loop3A_246] {strides = array<i32>} : memref<32x256xf32, #tpu.memory_space<vmem>>, vector<1x16xf32>,
        %parallel_loop3A_248 = vector.shape_cast %parallel_loop3A_247 : vector<1x16xf32> to vector<16xf32>
        %parallel_loop3A_249 = arith.constant 15 : i32
        %parallel_loop3A_250 = vector.broadcast %parallel_loop3A_249 : i32 to vector<16xi32>
        %parallel_loop3A_251 = tpu.iota {dimensions = array<i32: 0>} : vector<16xi32>
        %parallel_loop3A_252 = arith.subi %parallel_loop3A_250, %parallel_loop3A_251 : vector<16xi32>
        %parallel_loop3A_253 = tpu.dynamic_gather %parallel_loop3A_248[%parallel_loop3A_252] in [0] : vector<16xf32>, vector<16xi32> -> vector<16xf32>
        %parallel_loop3A_254 = arith.index_cast %parallel_loop3A_174 : i32 to index
        %parallel_loop3A_255 = arith.constant 80 : index
        %parallel_loop3A_256 = tpu.vector_load %arg9[%parallel_loop3A_254, %parallel_loop3A_255] {strides = array<i32>} : memref<32x256xf32, #tpu.memory_space<vmem>>, vector<1x16xf32>,
        %parallel_loop3A_257 = vector.shape_cast %parallel_loop3A_256 : vector<1x16xf32> to vector<16xf32>
        %parallel_loop3A_258 = vector.shape_cast %parallel_loop3A_253 : vector<16xf32> to vector<1x16xf32>
        tpu.vector_store %arg9[%parallel_loop3A_254, %parallel_loop3A_255], %parallel_loop3A_258 {strides = array<i32>} : memref<32x256xf32, #tpu.memory_space<vmem>>, vector<1x16xf32>,
        %parallel_loop3A_259 = arith.index_cast %parallel_loop3A_174 : i32 to index
        %parallel_loop3A_260 = arith.constant 144 : index
        %parallel_loop3A_261 = tpu.vector_load %arg5[%parallel_loop3A_259, %parallel_loop3A_260] {strides = array<i32>} : memref<32x256xf32, #tpu.memory_space<vmem>>, vector<1x16xf32>,
        %parallel_loop3A_262 = vector.shape_cast %parallel_loop3A_261 : vector<1x16xf32> to vector<16xf32>
        %parallel_loop3A_263 = arith.constant 15 : i32
        %parallel_loop3A_264 = vector.broadcast %parallel_loop3A_263 : i32 to vector<16xi32>
        %parallel_loop3A_265 = tpu.iota {dimensions = array<i32: 0>} : vector<16xi32>
        %parallel_loop3A_266 = arith.subi %parallel_loop3A_264, %parallel_loop3A_265 : vector<16xi32>
        %parallel_loop3A_267 = tpu.dynamic_gather %parallel_loop3A_262[%parallel_loop3A_266] in [0] : vector<16xf32>, vector<16xi32> -> vector<16xf32>
        %parallel_loop3A_268 = arith.index_cast %parallel_loop3A_174 : i32 to index
        %parallel_loop3A_269 = arith.constant 96 : index
        %parallel_loop3A_270 = tpu.vector_load %arg9[%parallel_loop3A_268, %parallel_loop3A_269] {strides = array<i32>} : memref<32x256xf32, #tpu.memory_space<vmem>>, vector<1x16xf32>,
        %parallel_loop3A_271 = vector.shape_cast %parallel_loop3A_270 : vector<1x16xf32> to vector<16xf32>
        %parallel_loop3A_272 = vector.shape_cast %parallel_loop3A_267 : vector<16xf32> to vector<1x16xf32>
        tpu.vector_store %arg9[%parallel_loop3A_268, %parallel_loop3A_269], %parallel_loop3A_272 {strides = array<i32>} : memref<32x256xf32, #tpu.memory_space<vmem>>, vector<1x16xf32>,
        %parallel_loop3A_273 = arith.index_cast %parallel_loop3A_174 : i32 to index
        %parallel_loop3A_274 = arith.constant 128 : index
        %parallel_loop3A_275 = tpu.vector_load %arg5[%parallel_loop3A_273, %parallel_loop3A_274] {strides = array<i32>} : memref<32x256xf32, #tpu.memory_space<vmem>>, vector<1x16xf32>,
        %parallel_loop3A_276 = vector.shape_cast %parallel_loop3A_275 : vector<1x16xf32> to vector<16xf32>
        %parallel_loop3A_277 = arith.constant 15 : i32
        %parallel_loop3A_278 = vector.broadcast %parallel_loop3A_277 : i32 to vector<16xi32>
        %parallel_loop3A_279 = tpu.iota {dimensions = array<i32: 0>} : vector<16xi32>
        %parallel_loop3A_280 = arith.subi %parallel_loop3A_278, %parallel_loop3A_279 : vector<16xi32>
        %parallel_loop3A_281 = tpu.dynamic_gather %parallel_loop3A_276[%parallel_loop3A_280] in [0] : vector<16xf32>, vector<16xi32> -> vector<16xf32>
        %parallel_loop3A_282 = arith.index_cast %parallel_loop3A_174 : i32 to index
        %parallel_loop3A_283 = arith.constant 112 : index
        %parallel_loop3A_284 = tpu.vector_load %arg9[%parallel_loop3A_282, %parallel_loop3A_283] {strides = array<i32>} : memref<32x256xf32, #tpu.memory_space<vmem>>, vector<1x16xf32>,
        %parallel_loop3A_285 = vector.shape_cast %parallel_loop3A_284 : vector<1x16xf32> to vector<16xf32>
        %parallel_loop3A_286 = vector.shape_cast %parallel_loop3A_281 : vector<16xf32> to vector<1x16xf32>
        tpu.vector_store %arg9[%parallel_loop3A_282, %parallel_loop3A_283], %parallel_loop3A_286 {strides = array<i32>} : memref<32x256xf32, #tpu.memory_space<vmem>>, vector<1x16xf32>,
        %parallel_loop3A_287 = arith.index_cast %parallel_loop3A_174 : i32 to index
        %parallel_loop3A_288 = arith.constant 112 : index
        %parallel_loop3A_289 = tpu.vector_load %arg5[%parallel_loop3A_287, %parallel_loop3A_288] {strides = array<i32>} : memref<32x256xf32, #tpu.memory_space<vmem>>, vector<1x16xf32>,
        %parallel_loop3A_290 = vector.shape_cast %parallel_loop3A_289 : vector<1x16xf32> to vector<16xf32>
        %parallel_loop3A_291 = arith.constant 15 : i32
        %parallel_loop3A_292 = vector.broadcast %parallel_loop3A_291 : i32 to vector<16xi32>
        %parallel_loop3A_293 = tpu.iota {dimensions = array<i32: 0>} : vector<16xi32>
        %parallel_loop3A_294 = arith.subi %parallel_loop3A_292, %parallel_loop3A_293 : vector<16xi32>
        %parallel_loop3A_295 = tpu.dynamic_gather %parallel_loop3A_290[%parallel_loop3A_294] in [0] : vector<16xf32>, vector<16xi32> -> vector<16xf32>
        %parallel_loop3A_296 = arith.index_cast %parallel_loop3A_174 : i32 to index
        %parallel_loop3A_297 = arith.constant 128 : index
        %parallel_loop3A_298 = tpu.vector_load %arg9[%parallel_loop3A_296, %parallel_loop3A_297] {strides = array<i32>} : memref<32x256xf32, #tpu.memory_space<vmem>>, vector<1x16xf32>,
        %parallel_loop3A_299 = vector.shape_cast %parallel_loop3A_298 : vector<1x16xf32> to vector<16xf32>
        %parallel_loop3A_300 = vector.shape_cast %parallel_loop3A_295 : vector<16xf32> to vector<1x16xf32>
        tpu.vector_store %arg9[%parallel_loop3A_296, %parallel_loop3A_297], %parallel_loop3A_300 {strides = array<i32>} : memref<32x256xf32, #tpu.memory_space<vmem>>, vector<1x16xf32>,
        %parallel_loop3A_301 = arith.index_cast %parallel_loop3A_174 : i32 to index
        %parallel_loop3A_302 = arith.constant 96 : index
        %parallel_loop3A_303 = tpu.vector_load %arg5[%parallel_loop3A_301, %parallel_loop3A_302] {strides = array<i32>} : memref<32x256xf32, #tpu.memory_space<vmem>>, vector<1x16xf32>,
        %parallel_loop3A_304 = vector.shape_cast %parallel_loop3A_303 : vector<1x16xf32> to vector<16xf32>
        %parallel_loop3A_305 = arith.constant 15 : i32
        %parallel_loop3A_306 = vector.broadcast %parallel_loop3A_305 : i32 to vector<16xi32>
        %parallel_loop3A_307 = tpu.iota {dimensions = array<i32: 0>} : vector<16xi32>
        %parallel_loop3A_308 = arith.subi %parallel_loop3A_306, %parallel_loop3A_307 : vector<16xi32>
        %parallel_loop3A_309 = tpu.dynamic_gather %parallel_loop3A_304[%parallel_loop3A_308] in [0] : vector<16xf32>, vector<16xi32> -> vector<16xf32>
        %parallel_loop3A_310 = arith.index_cast %parallel_loop3A_174 : i32 to index
        %parallel_loop3A_311 = arith.constant 144 : index
        %parallel_loop3A_312 = tpu.vector_load %arg9[%parallel_loop3A_310, %parallel_loop3A_311] {strides = array<i32>} : memref<32x256xf32, #tpu.memory_space<vmem>>, vector<1x16xf32>,
        %parallel_loop3A_313 = vector.shape_cast %parallel_loop3A_312 : vector<1x16xf32> to vector<16xf32>
        %parallel_loop3A_314 = vector.shape_cast %parallel_loop3A_309 : vector<16xf32> to vector<1x16xf32>
        tpu.vector_store %arg9[%parallel_loop3A_310, %parallel_loop3A_311], %parallel_loop3A_314 {strides = array<i32>} : memref<32x256xf32, #tpu.memory_space<vmem>>, vector<1x16xf32>,
        %parallel_loop3A_315 = arith.index_cast %parallel_loop3A_174 : i32 to index
        %parallel_loop3A_316 = arith.constant 80 : index
        %parallel_loop3A_317 = tpu.vector_load %arg5[%parallel_loop3A_315, %parallel_loop3A_316] {strides = array<i32>} : memref<32x256xf32, #tpu.memory_space<vmem>>, vector<1x16xf32>,
        %parallel_loop3A_318 = vector.shape_cast %parallel_loop3A_317 : vector<1x16xf32> to vector<16xf32>
        %parallel_loop3A_319 = arith.constant 15 : i32
        %parallel_loop3A_320 = vector.broadcast %parallel_loop3A_319 : i32 to vector<16xi32>
        %parallel_loop3A_321 = tpu.iota {dimensions = array<i32: 0>} : vector<16xi32>
        %parallel_loop3A_322 = arith.subi %parallel_loop3A_320, %parallel_loop3A_321 : vector<16xi32>
        %parallel_loop3A_323 = tpu.dynamic_gather %parallel_loop3A_318[%parallel_loop3A_322] in [0] : vector<16xf32>, vector<16xi32> -> vector<16xf32>
        %parallel_loop3A_324 = arith.index_cast %parallel_loop3A_174 : i32 to index
        %parallel_loop3A_325 = arith.constant 160 : index
        %parallel_loop3A_326 = tpu.vector_load %arg9[%parallel_loop3A_324, %parallel_loop3A_325] {strides = array<i32>} : memref<32x256xf32, #tpu.memory_space<vmem>>, vector<1x16xf32>,
        %parallel_loop3A_327 = vector.shape_cast %parallel_loop3A_326 : vector<1x16xf32> to vector<16xf32>
        %parallel_loop3A_328 = vector.shape_cast %parallel_loop3A_323 : vector<16xf32> to vector<1x16xf32>
        tpu.vector_store %arg9[%parallel_loop3A_324, %parallel_loop3A_325], %parallel_loop3A_328 {strides = array<i32>} : memref<32x256xf32, #tpu.memory_space<vmem>>, vector<1x16xf32>,
        %parallel_loop3A_329 = arith.index_cast %parallel_loop3A_174 : i32 to index
        %parallel_loop3A_330 = arith.constant 64 : index
        %parallel_loop3A_331 = tpu.vector_load %arg5[%parallel_loop3A_329, %parallel_loop3A_330] {strides = array<i32>} : memref<32x256xf32, #tpu.memory_space<vmem>>, vector<1x16xf32>,
        %parallel_loop3A_332 = vector.shape_cast %parallel_loop3A_331 : vector<1x16xf32> to vector<16xf32>
        %parallel_loop3A_333 = arith.constant 15 : i32
        %parallel_loop3A_334 = vector.broadcast %parallel_loop3A_333 : i32 to vector<16xi32>
        %parallel_loop3A_335 = tpu.iota {dimensions = array<i32: 0>} : vector<16xi32>
        %parallel_loop3A_336 = arith.subi %parallel_loop3A_334, %parallel_loop3A_335 : vector<16xi32>
        %parallel_loop3A_337 = tpu.dynamic_gather %parallel_loop3A_332[%parallel_loop3A_336] in [0] : vector<16xf32>, vector<16xi32> -> vector<16xf32>
        %parallel_loop3A_338 = arith.index_cast %parallel_loop3A_174 : i32 to index
        %parallel_loop3A_339 = arith.constant 176 : index
        %parallel_loop3A_340 = tpu.vector_load %arg9[%parallel_loop3A_338, %parallel_loop3A_339] {strides = array<i32>} : memref<32x256xf32, #tpu.memory_space<vmem>>, vector<1x16xf32>,
        %parallel_loop3A_341 = vector.shape_cast %parallel_loop3A_340 : vector<1x16xf32> to vector<16xf32>
        %parallel_loop3A_342 = vector.shape_cast %parallel_loop3A_337 : vector<16xf32> to vector<1x16xf32>
        tpu.vector_store %arg9[%parallel_loop3A_338, %parallel_loop3A_339], %parallel_loop3A_342 {strides = array<i32>} : memref<32x256xf32, #tpu.memory_space<vmem>>, vector<1x16xf32>,
        %parallel_loop3A_343 = arith.index_cast %parallel_loop3A_174 : i32 to index
        %parallel_loop3A_344 = arith.constant 48 : index
        %parallel_loop3A_345 = tpu.vector_load %arg5[%parallel_loop3A_343, %parallel_loop3A_344] {strides = array<i32>} : memref<32x256xf32, #tpu.memory_space<vmem>>, vector<1x16xf32>,
        %parallel_loop3A_346 = vector.shape_cast %parallel_loop3A_345 : vector<1x16xf32> to vector<16xf32>
        %parallel_loop3A_347 = arith.constant 15 : i32
        %parallel_loop3A_348 = vector.broadcast %parallel_loop3A_347 : i32 to vector<16xi32>
        %parallel_loop3A_349 = tpu.iota {dimensions = array<i32: 0>} : vector<16xi32>
        %parallel_loop3A_350 = arith.subi %parallel_loop3A_348, %parallel_loop3A_349 : vector<16xi32>
        %parallel_loop3A_351 = tpu.dynamic_gather %parallel_loop3A_346[%parallel_loop3A_350] in [0] : vector<16xf32>, vector<16xi32> -> vector<16xf32>
        %parallel_loop3A_352 = arith.index_cast %parallel_loop3A_174 : i32 to index
        %parallel_loop3A_353 = arith.constant 192 : index
        %parallel_loop3A_354 = tpu.vector_load %arg9[%parallel_loop3A_352, %parallel_loop3A_353] {strides = array<i32>} : memref<32x256xf32, #tpu.memory_space<vmem>>, vector<1x16xf32>,
        %parallel_loop3A_355 = vector.shape_cast %parallel_loop3A_354 : vector<1x16xf32> to vector<16xf32>
        %parallel_loop3A_356 = vector.shape_cast %parallel_loop3A_351 : vector<16xf32> to vector<1x16xf32>
        tpu.vector_store %arg9[%parallel_loop3A_352, %parallel_loop3A_353], %parallel_loop3A_356 {strides = array<i32>} : memref<32x256xf32, #tpu.memory_space<vmem>>, vector<1x16xf32>,
        %parallel_loop3A_357 = arith.index_cast %parallel_loop3A_174 : i32 to index
        %parallel_loop3A_358 = arith.constant 32 : index
        %parallel_loop3A_359 = tpu.vector_load %arg5[%parallel_loop3A_357, %parallel_loop3A_358] {strides = array<i32>} : memref<32x256xf32, #tpu.memory_space<vmem>>, vector<1x16xf32>,
        %parallel_loop3A_360 = vector.shape_cast %parallel_loop3A_359 : vector<1x16xf32> to vector<16xf32>
        %parallel_loop3A_361 = arith.constant 15 : i32
        %parallel_loop3A_362 = vector.broadcast %parallel_loop3A_361 : i32 to vector<16xi32>
        %parallel_loop3A_363 = tpu.iota {dimensions = array<i32: 0>} : vector<16xi32>
        %parallel_loop3A_364 = arith.subi %parallel_loop3A_362, %parallel_loop3A_363 : vector<16xi32>
        %parallel_loop3A_365 = tpu.dynamic_gather %parallel_loop3A_360[%parallel_loop3A_364] in [0] : vector<16xf32>, vector<16xi32> -> vector<16xf32>
        %parallel_loop3A_366 = arith.index_cast %parallel_loop3A_174 : i32 to index
        %parallel_loop3A_367 = arith.constant 208 : index
        %parallel_loop3A_368 = tpu.vector_load %arg9[%parallel_loop3A_366, %parallel_loop3A_367] {strides = array<i32>} : memref<32x256xf32, #tpu.memory_space<vmem>>, vector<1x16xf32>,
        %parallel_loop3A_369 = vector.shape_cast %parallel_loop3A_368 : vector<1x16xf32> to vector<16xf32>
        %parallel_loop3A_370 = vector.shape_cast %parallel_loop3A_365 : vector<16xf32> to vector<1x16xf32>
        tpu.vector_store %arg9[%parallel_loop3A_366, %parallel_loop3A_367], %parallel_loop3A_370 {strides = array<i32>} : memref<32x256xf32, #tpu.memory_space<vmem>>, vector<1x16xf32>,
        %parallel_loop3A_371 = arith.index_cast %parallel_loop3A_174 : i32 to index
        %parallel_loop3A_372 = arith.constant 16 : index
        %parallel_loop3A_373 = tpu.vector_load %arg5[%parallel_loop3A_371, %parallel_loop3A_372] {strides = array<i32>} : memref<32x256xf32, #tpu.memory_space<vmem>>, vector<1x16xf32>,
        %parallel_loop3A_374 = vector.shape_cast %parallel_loop3A_373 : vector<1x16xf32> to vector<16xf32>
        %parallel_loop3A_375 = arith.constant 15 : i32
        %parallel_loop3A_376 = vector.broadcast %parallel_loop3A_375 : i32 to vector<16xi32>
        %parallel_loop3A_377 = tpu.iota {dimensions = array<i32: 0>} : vector<16xi32>
        %parallel_loop3A_378 = arith.subi %parallel_loop3A_376, %parallel_loop3A_377 : vector<16xi32>
        %parallel_loop3A_379 = tpu.dynamic_gather %parallel_loop3A_374[%parallel_loop3A_378] in [0] : vector<16xf32>, vector<16xi32> -> vector<16xf32>
        %parallel_loop3A_380 = arith.index_cast %parallel_loop3A_174 : i32 to index
        %parallel_loop3A_381 = arith.constant 224 : index
        %parallel_loop3A_382 = tpu.vector_load %arg9[%parallel_loop3A_380, %parallel_loop3A_381] {strides = array<i32>} : memref<32x256xf32, #tpu.memory_space<vmem>>, vector<1x16xf32>,
        %parallel_loop3A_383 = vector.shape_cast %parallel_loop3A_382 : vector<1x16xf32> to vector<16xf32>
        %parallel_loop3A_384 = vector.shape_cast %parallel_loop3A_379 : vector<16xf32> to vector<1x16xf32>
        tpu.vector_store %arg9[%parallel_loop3A_380, %parallel_loop3A_381], %parallel_loop3A_384 {strides = array<i32>} : memref<32x256xf32, #tpu.memory_space<vmem>>, vector<1x16xf32>,
        %parallel_loop3A_385 = arith.index_cast %parallel_loop3A_174 : i32 to index
        %parallel_loop3A_386 = arith.constant 0 : index
        %parallel_loop3A_387 = tpu.vector_load %arg5[%parallel_loop3A_385, %parallel_loop3A_386] {strides = array<i32>} : memref<32x256xf32, #tpu.memory_space<vmem>>, vector<1x16xf32>,
        %parallel_loop3A_388 = vector.shape_cast %parallel_loop3A_387 : vector<1x16xf32> to vector<16xf32>
        %parallel_loop3A_389 = arith.constant 15 : i32
        %parallel_loop3A_390 = vector.broadcast %parallel_loop3A_389 : i32 to vector<16xi32>
        %parallel_loop3A_391 = tpu.iota {dimensions = array<i32: 0>} : vector<16xi32>
        %parallel_loop3A_392 = arith.subi %parallel_loop3A_390, %parallel_loop3A_391 : vector<16xi32>
        %parallel_loop3A_393 = tpu.dynamic_gather %parallel_loop3A_388[%parallel_loop3A_392] in [0] : vector<16xf32>, vector<16xi32> -> vector<16xf32>
        %parallel_loop3A_394 = arith.index_cast %parallel_loop3A_174 : i32 to index
        %parallel_loop3A_395 = arith.constant 240 : index
        %parallel_loop3A_396 = tpu.vector_load %arg9[%parallel_loop3A_394, %parallel_loop3A_395] {strides = array<i32>} : memref<32x256xf32, #tpu.memory_space<vmem>>, vector<1x16xf32>,
        %parallel_loop3A_397 = vector.shape_cast %parallel_loop3A_396 : vector<1x16xf32> to vector<16xf32>
        %parallel_loop3A_398 = vector.shape_cast %parallel_loop3A_393 : vector<16xf32> to vector<1x16xf32>
        tpu.vector_store %arg9[%parallel_loop3A_394, %parallel_loop3A_395], %parallel_loop3A_398 {strides = array<i32>} : memref<32x256xf32, #tpu.memory_space<vmem>>, vector<1x16xf32>,
      } {sc.loop_unroll_factor = 1 : i64, sc.parallel_access}
      %mul3A_100 = arith.constant 32 : i32
      %mul3A_101 = arith.muli %add3A_84, %mul3A_100 : i32
      %add3A_102 = arith.addi %mul3A_2, %mul3A_101 : i32
      %dma_start3A_103 = arith.constant 0 : i32
      %dma_start3A_104 = tpu.memref_slice %arg3[%add3A_102, %dma_start3A_103] : memref<262144x256xf32, #tpu.memory_space<hbm>> -> memref<32x256xf32, #tpu.memory_space<hbm>>
      %dma_start3A_105 = arith.constant 0 : i32
      %dma_start3A_106 = tpu.memref_slice %arg3[%add3A_102, %dma_start3A_105] : memref<262144x256xf32, #tpu.memory_space<hbm>> -> memref<32x256xf32, #tpu.memory_space<hbm>>
      tpu.enqueue_dma source(%arg9 : memref<32x256xf32, #tpu.memory_space<vmem>>) target(%dma_start3A_106 : memref<32x256xf32, #tpu.memory_space<hbm>>) target_semaphore(%arg17 : memref<!tpu.dma_semaphore, #tpu.memory_space<semaphore_mem>>)
      %lt3A_107 = arith.constant 63 : i32
      %lt3A_108 = arith.cmpi slt, %scan3A_54, %lt3A_107 : i32
      %convert_element_type3A_109 = arith.extui %lt3A_108 : i1 to i32
      %cond3A_110 = arith.constant 0 : i32
      %cond3A_111 = arith.cmpi ne, %convert_element_type3A_109, %cond3A_110 : i32
      scf.if %cond3A_111 {
        %add3A_174 = arith.constant 4 : i32
        %add3A_175 = arith.addi %add3A_84, %add3A_174 : i32
        %mul3A_176 = arith.constant 32 : i32
        %mul3A_177 = arith.muli %add3A_175, %mul3A_176 : i32
        %add3A_178 = arith.addi %mul3A_2, %mul3A_177 : i32
        %dma_start3A_179 = arith.constant 0 : i32
        %dma_start3A_180 = tpu.memref_slice %arg2[%add3A_178, %dma_start3A_179] : memref<262144x256xf32, #tpu.memory_space<hbm>> -> memref<32x256xf32, #tpu.memory_space<hbm>>
        %dma_start3A_181 = arith.constant 0 : i32
        %dma_start3A_182 = tpu.memref_slice %arg2[%add3A_178, %dma_start3A_181] : memref<262144x256xf32, #tpu.memory_space<hbm>> -> memref<32x256xf32, #tpu.memory_space<hbm>>
        tpu.enqueue_dma source(%dma_start3A_182 : memref<32x256xf32, #tpu.memory_space<hbm>>) target(%arg5 : memref<32x256xf32, #tpu.memory_space<vmem>>) target_semaphore(%arg13 : memref<!tpu.dma_semaphore, #tpu.memory_space<semaphore_mem>>)
      } else {
      }
      %mul3A_112 = arith.constant 4 : i32
      %mul3A_113 = arith.muli %scan3A_54, %mul3A_112 : i32
      %add3A_114 = arith.constant 2 : i32
      %add3A_115 = arith.addi %mul3A_113, %add3A_114 : i32
      %mul3A_116 = arith.constant 32 : i32
      %mul3A_117 = arith.muli %add3A_115, %mul3A_116 : i32
      %add3A_118 = arith.addi %mul3A_2, %mul3A_117 : i32
      %dma_wait3A_119 = arith.constant 0 : i32
      %dma_wait3A_120 = tpu.memref_slice %arg2[%add3A_118, %dma_wait3A_119] : memref<262144x256xf32, #tpu.memory_space<hbm>> -> memref<32x256xf32, #tpu.memory_space<hbm>>
      %dma_wait3A_121 = arith.constant 0 : i32
      %dma_wait3A_122 = tpu.memref_slice %arg2[%add3A_118, %dma_wait3A_121] : memref<262144x256xf32, #tpu.memory_space<hbm>> -> memref<32x256xf32, #tpu.memory_space<hbm>>
      tpu.wait_dma2 semaphore(%arg14 : memref<!tpu.dma_semaphore, #tpu.memory_space<semaphore_mem>>) src(%dma_wait3A_122 : memref<32x256xf32, #tpu.memory_space<hbm>>) dst(%arg6 : memref<32x256xf32, #tpu.memory_space<vmem>>)
      %gt3A_123 = arith.constant 0 : i32
      %gt3A_124 = arith.cmpi sgt, %scan3A_54, %gt3A_123 : i32
      %convert_element_type3A_125 = arith.extui %gt3A_124 : i1 to i32
      %cond3A_126 = arith.constant 0 : i32
      %cond3A_127 = arith.cmpi ne, %convert_element_type3A_125, %cond3A_126 : i32
      scf.if %cond3A_127 {
        %sub3A = arith.constant 4 : i32
        %sub3A_174 = arith.subi %add3A_115, %sub3A : i32
        %mul3A_175 = arith.constant 32 : i32
        %mul3A_176 = arith.muli %sub3A_174, %mul3A_175 : i32
        %add3A_177 = arith.addi %mul3A_2, %mul3A_176 : i32
        %dma_wait3A_178 = arith.constant 0 : i32
        %dma_wait3A_179 = tpu.memref_slice %arg3[%add3A_177, %dma_wait3A_178] : memref<262144x256xf32, #tpu.memory_space<hbm>> -> memref<32x256xf32, #tpu.memory_space<hbm>>
        %dma_wait3A_180 = arith.constant 0 : i32
        %dma_wait3A_181 = tpu.memref_slice %arg3[%add3A_177, %dma_wait3A_180] : memref<262144x256xf32, #tpu.memory_space<hbm>> -> memref<32x256xf32, #tpu.memory_space<hbm>>
        tpu.wait_dma2 semaphore(%arg18 : memref<!tpu.dma_semaphore, #tpu.memory_space<semaphore_mem>>) src(%arg10 : memref<32x256xf32, #tpu.memory_space<vmem>>) dst(%dma_wait3A_181 : memref<32x256xf32, #tpu.memory_space<hbm>>)
      } else {
      }
      %parallel_loop3A_128 = arith.constant 0 : i32
      %parallel_loop3A_129 = arith.constant 32 : i32
      %parallel_loop3A_130 = arith.constant 1 : i32
      scf.for %parallel_loop3A_174 = %parallel_loop3A_128 to %parallel_loop3A_129 step %parallel_loop3A_130  : i32 {
        %parallel_loop3A_175 = arith.index_cast %parallel_loop3A_174 : i32 to index
        %parallel_loop3A_176 = arith.constant 240 : index
        %parallel_loop3A_177 = tpu.vector_load %arg6[%parallel_loop3A_175, %parallel_loop3A_176] {strides = array<i32>} : memref<32x256xf32, #tpu.memory_space<vmem>>, vector<1x16xf32>,
        %parallel_loop3A_178 = vector.shape_cast %parallel_loop3A_177 : vector<1x16xf32> to vector<16xf32>
        %parallel_loop3A_179 = arith.constant 15 : i32
        %parallel_loop3A_180 = vector.broadcast %parallel_loop3A_179 : i32 to vector<16xi32>
        %parallel_loop3A_181 = tpu.iota {dimensions = array<i32: 0>} : vector<16xi32>
        %parallel_loop3A_182 = arith.subi %parallel_loop3A_180, %parallel_loop3A_181 : vector<16xi32>
        %parallel_loop3A_183 = tpu.dynamic_gather %parallel_loop3A_178[%parallel_loop3A_182] in [0] : vector<16xf32>, vector<16xi32> -> vector<16xf32>
        %parallel_loop3A_184 = arith.index_cast %parallel_loop3A_174 : i32 to index
        %parallel_loop3A_185 = arith.constant 0 : index
        %parallel_loop3A_186 = tpu.vector_load %arg10[%parallel_loop3A_184, %parallel_loop3A_185] {strides = array<i32>} : memref<32x256xf32, #tpu.memory_space<vmem>>, vector<1x16xf32>,
        %parallel_loop3A_187 = vector.shape_cast %parallel_loop3A_186 : vector<1x16xf32> to vector<16xf32>
        %parallel_loop3A_188 = vector.shape_cast %parallel_loop3A_183 : vector<16xf32> to vector<1x16xf32>
        tpu.vector_store %arg10[%parallel_loop3A_184, %parallel_loop3A_185], %parallel_loop3A_188 {strides = array<i32>} : memref<32x256xf32, #tpu.memory_space<vmem>>, vector<1x16xf32>,
        %parallel_loop3A_189 = arith.index_cast %parallel_loop3A_174 : i32 to index
        %parallel_loop3A_190 = arith.constant 224 : index
        %parallel_loop3A_191 = tpu.vector_load %arg6[%parallel_loop3A_189, %parallel_loop3A_190] {strides = array<i32>} : memref<32x256xf32, #tpu.memory_space<vmem>>, vector<1x16xf32>,
        %parallel_loop3A_192 = vector.shape_cast %parallel_loop3A_191 : vector<1x16xf32> to vector<16xf32>
        %parallel_loop3A_193 = arith.constant 15 : i32
        %parallel_loop3A_194 = vector.broadcast %parallel_loop3A_193 : i32 to vector<16xi32>
        %parallel_loop3A_195 = tpu.iota {dimensions = array<i32: 0>} : vector<16xi32>
        %parallel_loop3A_196 = arith.subi %parallel_loop3A_194, %parallel_loop3A_195 : vector<16xi32>
        %parallel_loop3A_197 = tpu.dynamic_gather %parallel_loop3A_192[%parallel_loop3A_196] in [0] : vector<16xf32>, vector<16xi32> -> vector<16xf32>
        %parallel_loop3A_198 = arith.index_cast %parallel_loop3A_174 : i32 to index
        %parallel_loop3A_199 = arith.constant 16 : index
        %parallel_loop3A_200 = tpu.vector_load %arg10[%parallel_loop3A_198, %parallel_loop3A_199] {strides = array<i32>} : memref<32x256xf32, #tpu.memory_space<vmem>>, vector<1x16xf32>,
        %parallel_loop3A_201 = vector.shape_cast %parallel_loop3A_200 : vector<1x16xf32> to vector<16xf32>
        %parallel_loop3A_202 = vector.shape_cast %parallel_loop3A_197 : vector<16xf32> to vector<1x16xf32>
        tpu.vector_store %arg10[%parallel_loop3A_198, %parallel_loop3A_199], %parallel_loop3A_202 {strides = array<i32>} : memref<32x256xf32, #tpu.memory_space<vmem>>, vector<1x16xf32>,
        %parallel_loop3A_203 = arith.index_cast %parallel_loop3A_174 : i32 to index
        %parallel_loop3A_204 = arith.constant 208 : index
        %parallel_loop3A_205 = tpu.vector_load %arg6[%parallel_loop3A_203, %parallel_loop3A_204] {strides = array<i32>} : memref<32x256xf32, #tpu.memory_space<vmem>>, vector<1x16xf32>,
        %parallel_loop3A_206 = vector.shape_cast %parallel_loop3A_205 : vector<1x16xf32> to vector<16xf32>
        %parallel_loop3A_207 = arith.constant 15 : i32
        %parallel_loop3A_208 = vector.broadcast %parallel_loop3A_207 : i32 to vector<16xi32>
        %parallel_loop3A_209 = tpu.iota {dimensions = array<i32: 0>} : vector<16xi32>
        %parallel_loop3A_210 = arith.subi %parallel_loop3A_208, %parallel_loop3A_209 : vector<16xi32>
        %parallel_loop3A_211 = tpu.dynamic_gather %parallel_loop3A_206[%parallel_loop3A_210] in [0] : vector<16xf32>, vector<16xi32> -> vector<16xf32>
        %parallel_loop3A_212 = arith.index_cast %parallel_loop3A_174 : i32 to index
        %parallel_loop3A_213 = arith.constant 32 : index
        %parallel_loop3A_214 = tpu.vector_load %arg10[%parallel_loop3A_212, %parallel_loop3A_213] {strides = array<i32>} : memref<32x256xf32, #tpu.memory_space<vmem>>, vector<1x16xf32>,
        %parallel_loop3A_215 = vector.shape_cast %parallel_loop3A_214 : vector<1x16xf32> to vector<16xf32>
        %parallel_loop3A_216 = vector.shape_cast %parallel_loop3A_211 : vector<16xf32> to vector<1x16xf32>
        tpu.vector_store %arg10[%parallel_loop3A_212, %parallel_loop3A_213], %parallel_loop3A_216 {strides = array<i32>} : memref<32x256xf32, #tpu.memory_space<vmem>>, vector<1x16xf32>,
        %parallel_loop3A_217 = arith.index_cast %parallel_loop3A_174 : i32 to index
        %parallel_loop3A_218 = arith.constant 192 : index
        %parallel_loop3A_219 = tpu.vector_load %arg6[%parallel_loop3A_217, %parallel_loop3A_218] {strides = array<i32>} : memref<32x256xf32, #tpu.memory_space<vmem>>, vector<1x16xf32>,
        %parallel_loop3A_220 = vector.shape_cast %parallel_loop3A_219 : vector<1x16xf32> to vector<16xf32>
        %parallel_loop3A_221 = arith.constant 15 : i32
        %parallel_loop3A_222 = vector.broadcast %parallel_loop3A_221 : i32 to vector<16xi32>
        %parallel_loop3A_223 = tpu.iota {dimensions = array<i32: 0>} : vector<16xi32>
        %parallel_loop3A_224 = arith.subi %parallel_loop3A_222, %parallel_loop3A_223 : vector<16xi32>
        %parallel_loop3A_225 = tpu.dynamic_gather %parallel_loop3A_220[%parallel_loop3A_224] in [0] : vector<16xf32>, vector<16xi32> -> vector<16xf32>
        %parallel_loop3A_226 = arith.index_cast %parallel_loop3A_174 : i32 to index
        %parallel_loop3A_227 = arith.constant 48 : index
        %parallel_loop3A_228 = tpu.vector_load %arg10[%parallel_loop3A_226, %parallel_loop3A_227] {strides = array<i32>} : memref<32x256xf32, #tpu.memory_space<vmem>>, vector<1x16xf32>,
        %parallel_loop3A_229 = vector.shape_cast %parallel_loop3A_228 : vector<1x16xf32> to vector<16xf32>
        %parallel_loop3A_230 = vector.shape_cast %parallel_loop3A_225 : vector<16xf32> to vector<1x16xf32>
        tpu.vector_store %arg10[%parallel_loop3A_226, %parallel_loop3A_227], %parallel_loop3A_230 {strides = array<i32>} : memref<32x256xf32, #tpu.memory_space<vmem>>, vector<1x16xf32>,
        %parallel_loop3A_231 = arith.index_cast %parallel_loop3A_174 : i32 to index
        %parallel_loop3A_232 = arith.constant 176 : index
        %parallel_loop3A_233 = tpu.vector_load %arg6[%parallel_loop3A_231, %parallel_loop3A_232] {strides = array<i32>} : memref<32x256xf32, #tpu.memory_space<vmem>>, vector<1x16xf32>,
        %parallel_loop3A_234 = vector.shape_cast %parallel_loop3A_233 : vector<1x16xf32> to vector<16xf32>
        %parallel_loop3A_235 = arith.constant 15 : i32
        %parallel_loop3A_236 = vector.broadcast %parallel_loop3A_235 : i32 to vector<16xi32>
        %parallel_loop3A_237 = tpu.iota {dimensions = array<i32: 0>} : vector<16xi32>
        %parallel_loop3A_238 = arith.subi %parallel_loop3A_236, %parallel_loop3A_237 : vector<16xi32>
        %parallel_loop3A_239 = tpu.dynamic_gather %parallel_loop3A_234[%parallel_loop3A_238] in [0] : vector<16xf32>, vector<16xi32> -> vector<16xf32>
        %parallel_loop3A_240 = arith.index_cast %parallel_loop3A_174 : i32 to index
        %parallel_loop3A_241 = arith.constant 64 : index
        %parallel_loop3A_242 = tpu.vector_load %arg10[%parallel_loop3A_240, %parallel_loop3A_241] {strides = array<i32>} : memref<32x256xf32, #tpu.memory_space<vmem>>, vector<1x16xf32>,
        %parallel_loop3A_243 = vector.shape_cast %parallel_loop3A_242 : vector<1x16xf32> to vector<16xf32>
        %parallel_loop3A_244 = vector.shape_cast %parallel_loop3A_239 : vector<16xf32> to vector<1x16xf32>
        tpu.vector_store %arg10[%parallel_loop3A_240, %parallel_loop3A_241], %parallel_loop3A_244 {strides = array<i32>} : memref<32x256xf32, #tpu.memory_space<vmem>>, vector<1x16xf32>,
        %parallel_loop3A_245 = arith.index_cast %parallel_loop3A_174 : i32 to index
        %parallel_loop3A_246 = arith.constant 160 : index
        %parallel_loop3A_247 = tpu.vector_load %arg6[%parallel_loop3A_245, %parallel_loop3A_246] {strides = array<i32>} : memref<32x256xf32, #tpu.memory_space<vmem>>, vector<1x16xf32>,
        %parallel_loop3A_248 = vector.shape_cast %parallel_loop3A_247 : vector<1x16xf32> to vector<16xf32>
        %parallel_loop3A_249 = arith.constant 15 : i32
        %parallel_loop3A_250 = vector.broadcast %parallel_loop3A_249 : i32 to vector<16xi32>
        %parallel_loop3A_251 = tpu.iota {dimensions = array<i32: 0>} : vector<16xi32>
        %parallel_loop3A_252 = arith.subi %parallel_loop3A_250, %parallel_loop3A_251 : vector<16xi32>
        %parallel_loop3A_253 = tpu.dynamic_gather %parallel_loop3A_248[%parallel_loop3A_252] in [0] : vector<16xf32>, vector<16xi32> -> vector<16xf32>
        %parallel_loop3A_254 = arith.index_cast %parallel_loop3A_174 : i32 to index
        %parallel_loop3A_255 = arith.constant 80 : index
        %parallel_loop3A_256 = tpu.vector_load %arg10[%parallel_loop3A_254, %parallel_loop3A_255] {strides = array<i32>} : memref<32x256xf32, #tpu.memory_space<vmem>>, vector<1x16xf32>,
        %parallel_loop3A_257 = vector.shape_cast %parallel_loop3A_256 : vector<1x16xf32> to vector<16xf32>
        %parallel_loop3A_258 = vector.shape_cast %parallel_loop3A_253 : vector<16xf32> to vector<1x16xf32>
        tpu.vector_store %arg10[%parallel_loop3A_254, %parallel_loop3A_255], %parallel_loop3A_258 {strides = array<i32>} : memref<32x256xf32, #tpu.memory_space<vmem>>, vector<1x16xf32>,
        %parallel_loop3A_259 = arith.index_cast %parallel_loop3A_174 : i32 to index
        %parallel_loop3A_260 = arith.constant 144 : index
        %parallel_loop3A_261 = tpu.vector_load %arg6[%parallel_loop3A_259, %parallel_loop3A_260] {strides = array<i32>} : memref<32x256xf32, #tpu.memory_space<vmem>>, vector<1x16xf32>,
        %parallel_loop3A_262 = vector.shape_cast %parallel_loop3A_261 : vector<1x16xf32> to vector<16xf32>
        %parallel_loop3A_263 = arith.constant 15 : i32
        %parallel_loop3A_264 = vector.broadcast %parallel_loop3A_263 : i32 to vector<16xi32>
        %parallel_loop3A_265 = tpu.iota {dimensions = array<i32: 0>} : vector<16xi32>
        %parallel_loop3A_266 = arith.subi %parallel_loop3A_264, %parallel_loop3A_265 : vector<16xi32>
        %parallel_loop3A_267 = tpu.dynamic_gather %parallel_loop3A_262[%parallel_loop3A_266] in [0] : vector<16xf32>, vector<16xi32> -> vector<16xf32>
        %parallel_loop3A_268 = arith.index_cast %parallel_loop3A_174 : i32 to index
        %parallel_loop3A_269 = arith.constant 96 : index
        %parallel_loop3A_270 = tpu.vector_load %arg10[%parallel_loop3A_268, %parallel_loop3A_269] {strides = array<i32>} : memref<32x256xf32, #tpu.memory_space<vmem>>, vector<1x16xf32>,
        %parallel_loop3A_271 = vector.shape_cast %parallel_loop3A_270 : vector<1x16xf32> to vector<16xf32>
        %parallel_loop3A_272 = vector.shape_cast %parallel_loop3A_267 : vector<16xf32> to vector<1x16xf32>
        tpu.vector_store %arg10[%parallel_loop3A_268, %parallel_loop3A_269], %parallel_loop3A_272 {strides = array<i32>} : memref<32x256xf32, #tpu.memory_space<vmem>>, vector<1x16xf32>,
        %parallel_loop3A_273 = arith.index_cast %parallel_loop3A_174 : i32 to index
        %parallel_loop3A_274 = arith.constant 128 : index
        %parallel_loop3A_275 = tpu.vector_load %arg6[%parallel_loop3A_273, %parallel_loop3A_274] {strides = array<i32>} : memref<32x256xf32, #tpu.memory_space<vmem>>, vector<1x16xf32>,
        %parallel_loop3A_276 = vector.shape_cast %parallel_loop3A_275 : vector<1x16xf32> to vector<16xf32>
        %parallel_loop3A_277 = arith.constant 15 : i32
        %parallel_loop3A_278 = vector.broadcast %parallel_loop3A_277 : i32 to vector<16xi32>
        %parallel_loop3A_279 = tpu.iota {dimensions = array<i32: 0>} : vector<16xi32>
        %parallel_loop3A_280 = arith.subi %parallel_loop3A_278, %parallel_loop3A_279 : vector<16xi32>
        %parallel_loop3A_281 = tpu.dynamic_gather %parallel_loop3A_276[%parallel_loop3A_280] in [0] : vector<16xf32>, vector<16xi32> -> vector<16xf32>
        %parallel_loop3A_282 = arith.index_cast %parallel_loop3A_174 : i32 to index
        %parallel_loop3A_283 = arith.constant 112 : index
        %parallel_loop3A_284 = tpu.vector_load %arg10[%parallel_loop3A_282, %parallel_loop3A_283] {strides = array<i32>} : memref<32x256xf32, #tpu.memory_space<vmem>>, vector<1x16xf32>,
        %parallel_loop3A_285 = vector.shape_cast %parallel_loop3A_284 : vector<1x16xf32> to vector<16xf32>
        %parallel_loop3A_286 = vector.shape_cast %parallel_loop3A_281 : vector<16xf32> to vector<1x16xf32>
        tpu.vector_store %arg10[%parallel_loop3A_282, %parallel_loop3A_283], %parallel_loop3A_286 {strides = array<i32>} : memref<32x256xf32, #tpu.memory_space<vmem>>, vector<1x16xf32>,
        %parallel_loop3A_287 = arith.index_cast %parallel_loop3A_174 : i32 to index
        %parallel_loop3A_288 = arith.constant 112 : index
        %parallel_loop3A_289 = tpu.vector_load %arg6[%parallel_loop3A_287, %parallel_loop3A_288] {strides = array<i32>} : memref<32x256xf32, #tpu.memory_space<vmem>>, vector<1x16xf32>,
        %parallel_loop3A_290 = vector.shape_cast %parallel_loop3A_289 : vector<1x16xf32> to vector<16xf32>
        %parallel_loop3A_291 = arith.constant 15 : i32
        %parallel_loop3A_292 = vector.broadcast %parallel_loop3A_291 : i32 to vector<16xi32>
        %parallel_loop3A_293 = tpu.iota {dimensions = array<i32: 0>} : vector<16xi32>
        %parallel_loop3A_294 = arith.subi %parallel_loop3A_292, %parallel_loop3A_293 : vector<16xi32>
        %parallel_loop3A_295 = tpu.dynamic_gather %parallel_loop3A_290[%parallel_loop3A_294] in [0] : vector<16xf32>, vector<16xi32> -> vector<16xf32>
        %parallel_loop3A_296 = arith.index_cast %parallel_loop3A_174 : i32 to index
        %parallel_loop3A_297 = arith.constant 128 : index
        %parallel_loop3A_298 = tpu.vector_load %arg10[%parallel_loop3A_296, %parallel_loop3A_297] {strides = array<i32>} : memref<32x256xf32, #tpu.memory_space<vmem>>, vector<1x16xf32>,
        %parallel_loop3A_299 = vector.shape_cast %parallel_loop3A_298 : vector<1x16xf32> to vector<16xf32>
        %parallel_loop3A_300 = vector.shape_cast %parallel_loop3A_295 : vector<16xf32> to vector<1x16xf32>
        tpu.vector_store %arg10[%parallel_loop3A_296, %parallel_loop3A_297], %parallel_loop3A_300 {strides = array<i32>} : memref<32x256xf32, #tpu.memory_space<vmem>>, vector<1x16xf32>,
        %parallel_loop3A_301 = arith.index_cast %parallel_loop3A_174 : i32 to index
        %parallel_loop3A_302 = arith.constant 96 : index
        %parallel_loop3A_303 = tpu.vector_load %arg6[%parallel_loop3A_301, %parallel_loop3A_302] {strides = array<i32>} : memref<32x256xf32, #tpu.memory_space<vmem>>, vector<1x16xf32>,
        %parallel_loop3A_304 = vector.shape_cast %parallel_loop3A_303 : vector<1x16xf32> to vector<16xf32>
        %parallel_loop3A_305 = arith.constant 15 : i32
        %parallel_loop3A_306 = vector.broadcast %parallel_loop3A_305 : i32 to vector<16xi32>
        %parallel_loop3A_307 = tpu.iota {dimensions = array<i32: 0>} : vector<16xi32>
        %parallel_loop3A_308 = arith.subi %parallel_loop3A_306, %parallel_loop3A_307 : vector<16xi32>
        %parallel_loop3A_309 = tpu.dynamic_gather %parallel_loop3A_304[%parallel_loop3A_308] in [0] : vector<16xf32>, vector<16xi32> -> vector<16xf32>
        %parallel_loop3A_310 = arith.index_cast %parallel_loop3A_174 : i32 to index
        %parallel_loop3A_311 = arith.constant 144 : index
        %parallel_loop3A_312 = tpu.vector_load %arg10[%parallel_loop3A_310, %parallel_loop3A_311] {strides = array<i32>} : memref<32x256xf32, #tpu.memory_space<vmem>>, vector<1x16xf32>,
        %parallel_loop3A_313 = vector.shape_cast %parallel_loop3A_312 : vector<1x16xf32> to vector<16xf32>
        %parallel_loop3A_314 = vector.shape_cast %parallel_loop3A_309 : vector<16xf32> to vector<1x16xf32>
        tpu.vector_store %arg10[%parallel_loop3A_310, %parallel_loop3A_311], %parallel_loop3A_314 {strides = array<i32>} : memref<32x256xf32, #tpu.memory_space<vmem>>, vector<1x16xf32>,
        %parallel_loop3A_315 = arith.index_cast %parallel_loop3A_174 : i32 to index
        %parallel_loop3A_316 = arith.constant 80 : index
        %parallel_loop3A_317 = tpu.vector_load %arg6[%parallel_loop3A_315, %parallel_loop3A_316] {strides = array<i32>} : memref<32x256xf32, #tpu.memory_space<vmem>>, vector<1x16xf32>,
        %parallel_loop3A_318 = vector.shape_cast %parallel_loop3A_317 : vector<1x16xf32> to vector<16xf32>
        %parallel_loop3A_319 = arith.constant 15 : i32
        %parallel_loop3A_320 = vector.broadcast %parallel_loop3A_319 : i32 to vector<16xi32>
        %parallel_loop3A_321 = tpu.iota {dimensions = array<i32: 0>} : vector<16xi32>
        %parallel_loop3A_322 = arith.subi %parallel_loop3A_320, %parallel_loop3A_321 : vector<16xi32>
        %parallel_loop3A_323 = tpu.dynamic_gather %parallel_loop3A_318[%parallel_loop3A_322] in [0] : vector<16xf32>, vector<16xi32> -> vector<16xf32>
        %parallel_loop3A_324 = arith.index_cast %parallel_loop3A_174 : i32 to index
        %parallel_loop3A_325 = arith.constant 160 : index
        %parallel_loop3A_326 = tpu.vector_load %arg10[%parallel_loop3A_324, %parallel_loop3A_325] {strides = array<i32>} : memref<32x256xf32, #tpu.memory_space<vmem>>, vector<1x16xf32>,
        %parallel_loop3A_327 = vector.shape_cast %parallel_loop3A_326 : vector<1x16xf32> to vector<16xf32>
        %parallel_loop3A_328 = vector.shape_cast %parallel_loop3A_323 : vector<16xf32> to vector<1x16xf32>
        tpu.vector_store %arg10[%parallel_loop3A_324, %parallel_loop3A_325], %parallel_loop3A_328 {strides = array<i32>} : memref<32x256xf32, #tpu.memory_space<vmem>>, vector<1x16xf32>,
        %parallel_loop3A_329 = arith.index_cast %parallel_loop3A_174 : i32 to index
        %parallel_loop3A_330 = arith.constant 64 : index
        %parallel_loop3A_331 = tpu.vector_load %arg6[%parallel_loop3A_329, %parallel_loop3A_330] {strides = array<i32>} : memref<32x256xf32, #tpu.memory_space<vmem>>, vector<1x16xf32>,
        %parallel_loop3A_332 = vector.shape_cast %parallel_loop3A_331 : vector<1x16xf32> to vector<16xf32>
        %parallel_loop3A_333 = arith.constant 15 : i32
        %parallel_loop3A_334 = vector.broadcast %parallel_loop3A_333 : i32 to vector<16xi32>
        %parallel_loop3A_335 = tpu.iota {dimensions = array<i32: 0>} : vector<16xi32>
        %parallel_loop3A_336 = arith.subi %parallel_loop3A_334, %parallel_loop3A_335 : vector<16xi32>
        %parallel_loop3A_337 = tpu.dynamic_gather %parallel_loop3A_332[%parallel_loop3A_336] in [0] : vector<16xf32>, vector<16xi32> -> vector<16xf32>
        %parallel_loop3A_338 = arith.index_cast %parallel_loop3A_174 : i32 to index
        %parallel_loop3A_339 = arith.constant 176 : index
        %parallel_loop3A_340 = tpu.vector_load %arg10[%parallel_loop3A_338, %parallel_loop3A_339] {strides = array<i32>} : memref<32x256xf32, #tpu.memory_space<vmem>>, vector<1x16xf32>,
        %parallel_loop3A_341 = vector.shape_cast %parallel_loop3A_340 : vector<1x16xf32> to vector<16xf32>
        %parallel_loop3A_342 = vector.shape_cast %parallel_loop3A_337 : vector<16xf32> to vector<1x16xf32>
        tpu.vector_store %arg10[%parallel_loop3A_338, %parallel_loop3A_339], %parallel_loop3A_342 {strides = array<i32>} : memref<32x256xf32, #tpu.memory_space<vmem>>, vector<1x16xf32>,
        %parallel_loop3A_343 = arith.index_cast %parallel_loop3A_174 : i32 to index
        %parallel_loop3A_344 = arith.constant 48 : index
        %parallel_loop3A_345 = tpu.vector_load %arg6[%parallel_loop3A_343, %parallel_loop3A_344] {strides = array<i32>} : memref<32x256xf32, #tpu.memory_space<vmem>>, vector<1x16xf32>,
        %parallel_loop3A_346 = vector.shape_cast %parallel_loop3A_345 : vector<1x16xf32> to vector<16xf32>
        %parallel_loop3A_347 = arith.constant 15 : i32
        %parallel_loop3A_348 = vector.broadcast %parallel_loop3A_347 : i32 to vector<16xi32>
        %parallel_loop3A_349 = tpu.iota {dimensions = array<i32: 0>} : vector<16xi32>
        %parallel_loop3A_350 = arith.subi %parallel_loop3A_348, %parallel_loop3A_349 : vector<16xi32>
        %parallel_loop3A_351 = tpu.dynamic_gather %parallel_loop3A_346[%parallel_loop3A_350] in [0] : vector<16xf32>, vector<16xi32> -> vector<16xf32>
        %parallel_loop3A_352 = arith.index_cast %parallel_loop3A_174 : i32 to index
        %parallel_loop3A_353 = arith.constant 192 : index
        %parallel_loop3A_354 = tpu.vector_load %arg10[%parallel_loop3A_352, %parallel_loop3A_353] {strides = array<i32>} : memref<32x256xf32, #tpu.memory_space<vmem>>, vector<1x16xf32>,
        %parallel_loop3A_355 = vector.shape_cast %parallel_loop3A_354 : vector<1x16xf32> to vector<16xf32>
        %parallel_loop3A_356 = vector.shape_cast %parallel_loop3A_351 : vector<16xf32> to vector<1x16xf32>
        tpu.vector_store %arg10[%parallel_loop3A_352, %parallel_loop3A_353], %parallel_loop3A_356 {strides = array<i32>} : memref<32x256xf32, #tpu.memory_space<vmem>>, vector<1x16xf32>,
        %parallel_loop3A_357 = arith.index_cast %parallel_loop3A_174 : i32 to index
        %parallel_loop3A_358 = arith.constant 32 : index
        %parallel_loop3A_359 = tpu.vector_load %arg6[%parallel_loop3A_357, %parallel_loop3A_358] {strides = array<i32>} : memref<32x256xf32, #tpu.memory_space<vmem>>, vector<1x16xf32>,
        %parallel_loop3A_360 = vector.shape_cast %parallel_loop3A_359 : vector<1x16xf32> to vector<16xf32>
        %parallel_loop3A_361 = arith.constant 15 : i32
        %parallel_loop3A_362 = vector.broadcast %parallel_loop3A_361 : i32 to vector<16xi32>
        %parallel_loop3A_363 = tpu.iota {dimensions = array<i32: 0>} : vector<16xi32>
        %parallel_loop3A_364 = arith.subi %parallel_loop3A_362, %parallel_loop3A_363 : vector<16xi32>
        %parallel_loop3A_365 = tpu.dynamic_gather %parallel_loop3A_360[%parallel_loop3A_364] in [0] : vector<16xf32>, vector<16xi32> -> vector<16xf32>
        %parallel_loop3A_366 = arith.index_cast %parallel_loop3A_174 : i32 to index
        %parallel_loop3A_367 = arith.constant 208 : index
        %parallel_loop3A_368 = tpu.vector_load %arg10[%parallel_loop3A_366, %parallel_loop3A_367] {strides = array<i32>} : memref<32x256xf32, #tpu.memory_space<vmem>>, vector<1x16xf32>,
        %parallel_loop3A_369 = vector.shape_cast %parallel_loop3A_368 : vector<1x16xf32> to vector<16xf32>
        %parallel_loop3A_370 = vector.shape_cast %parallel_loop3A_365 : vector<16xf32> to vector<1x16xf32>
        tpu.vector_store %arg10[%parallel_loop3A_366, %parallel_loop3A_367], %parallel_loop3A_370 {strides = array<i32>} : memref<32x256xf32, #tpu.memory_space<vmem>>, vector<1x16xf32>,
        %parallel_loop3A_371 = arith.index_cast %parallel_loop3A_174 : i32 to index
        %parallel_loop3A_372 = arith.constant 16 : index
        %parallel_loop3A_373 = tpu.vector_load %arg6[%parallel_loop3A_371, %parallel_loop3A_372] {strides = array<i32>} : memref<32x256xf32, #tpu.memory_space<vmem>>, vector<1x16xf32>,
        %parallel_loop3A_374 = vector.shape_cast %parallel_loop3A_373 : vector<1x16xf32> to vector<16xf32>
        %parallel_loop3A_375 = arith.constant 15 : i32
        %parallel_loop3A_376 = vector.broadcast %parallel_loop3A_375 : i32 to vector<16xi32>
        %parallel_loop3A_377 = tpu.iota {dimensions = array<i32: 0>} : vector<16xi32>
        %parallel_loop3A_378 = arith.subi %parallel_loop3A_376, %parallel_loop3A_377 : vector<16xi32>
        %parallel_loop3A_379 = tpu.dynamic_gather %parallel_loop3A_374[%parallel_loop3A_378] in [0] : vector<16xf32>, vector<16xi32> -> vector<16xf32>
        %parallel_loop3A_380 = arith.index_cast %parallel_loop3A_174 : i32 to index
        %parallel_loop3A_381 = arith.constant 224 : index
        %parallel_loop3A_382 = tpu.vector_load %arg10[%parallel_loop3A_380, %parallel_loop3A_381] {strides = array<i32>} : memref<32x256xf32, #tpu.memory_space<vmem>>, vector<1x16xf32>,
        %parallel_loop3A_383 = vector.shape_cast %parallel_loop3A_382 : vector<1x16xf32> to vector<16xf32>
        %parallel_loop3A_384 = vector.shape_cast %parallel_loop3A_379 : vector<16xf32> to vector<1x16xf32>
        tpu.vector_store %arg10[%parallel_loop3A_380, %parallel_loop3A_381], %parallel_loop3A_384 {strides = array<i32>} : memref<32x256xf32, #tpu.memory_space<vmem>>, vector<1x16xf32>,
        %parallel_loop3A_385 = arith.index_cast %parallel_loop3A_174 : i32 to index
        %parallel_loop3A_386 = arith.constant 0 : index
        %parallel_loop3A_387 = tpu.vector_load %arg6[%parallel_loop3A_385, %parallel_loop3A_386] {strides = array<i32>} : memref<32x256xf32, #tpu.memory_space<vmem>>, vector<1x16xf32>,
        %parallel_loop3A_388 = vector.shape_cast %parallel_loop3A_387 : vector<1x16xf32> to vector<16xf32>
        %parallel_loop3A_389 = arith.constant 15 : i32
        %parallel_loop3A_390 = vector.broadcast %parallel_loop3A_389 : i32 to vector<16xi32>
        %parallel_loop3A_391 = tpu.iota {dimensions = array<i32: 0>} : vector<16xi32>
        %parallel_loop3A_392 = arith.subi %parallel_loop3A_390, %parallel_loop3A_391 : vector<16xi32>
        %parallel_loop3A_393 = tpu.dynamic_gather %parallel_loop3A_388[%parallel_loop3A_392] in [0] : vector<16xf32>, vector<16xi32> -> vector<16xf32>
        %parallel_loop3A_394 = arith.index_cast %parallel_loop3A_174 : i32 to index
        %parallel_loop3A_395 = arith.constant 240 : index
        %parallel_loop3A_396 = tpu.vector_load %arg10[%parallel_loop3A_394, %parallel_loop3A_395] {strides = array<i32>} : memref<32x256xf32, #tpu.memory_space<vmem>>, vector<1x16xf32>,
        %parallel_loop3A_397 = vector.shape_cast %parallel_loop3A_396 : vector<1x16xf32> to vector<16xf32>
        %parallel_loop3A_398 = vector.shape_cast %parallel_loop3A_393 : vector<16xf32> to vector<1x16xf32>
        tpu.vector_store %arg10[%parallel_loop3A_394, %parallel_loop3A_395], %parallel_loop3A_398 {strides = array<i32>} : memref<32x256xf32, #tpu.memory_space<vmem>>, vector<1x16xf32>,
      } {sc.loop_unroll_factor = 1 : i64, sc.parallel_access}
      %mul3A_131 = arith.constant 32 : i32
      %mul3A_132 = arith.muli %add3A_115, %mul3A_131 : i32
      %add3A_133 = arith.addi %mul3A_2, %mul3A_132 : i32
      %dma_start3A_134 = arith.constant 0 : i32
      %dma_start3A_135 = tpu.memref_slice %arg3[%add3A_133, %dma_start3A_134] : memref<262144x256xf32, #tpu.memory_space<hbm>> -> memref<32x256xf32, #tpu.memory_space<hbm>>
      %dma_start3A_136 = arith.constant 0 : i32
      %dma_start3A_137 = tpu.memref_slice %arg3[%add3A_133, %dma_start3A_136] : memref<262144x256xf32, #tpu.memory_space<hbm>> -> memref<32x256xf32, #tpu.memory_space<hbm>>
      tpu.enqueue_dma source(%arg10 : memref<32x256xf32, #tpu.memory_space<vmem>>) target(%dma_start3A_137 : memref<32x256xf32, #tpu.memory_space<hbm>>) target_semaphore(%arg18 : memref<!tpu.dma_semaphore, #tpu.memory_space<semaphore_mem>>)
      %lt3A_138 = arith.constant 63 : i32
      %lt3A_139 = arith.cmpi slt, %scan3A_54, %lt3A_138 : i32
      %convert_element_type3A_140 = arith.extui %lt3A_139 : i1 to i32
      %cond3A_141 = arith.constant 0 : i32
      %cond3A_142 = arith.cmpi ne, %convert_element_type3A_140, %cond3A_141 : i32
      scf.if %cond3A_142 {
        %add3A_174 = arith.constant 4 : i32
        %add3A_175 = arith.addi %add3A_115, %add3A_174 : i32
        %mul3A_176 = arith.constant 32 : i32
        %mul3A_177 = arith.muli %add3A_175, %mul3A_176 : i32
        %add3A_178 = arith.addi %mul3A_2, %mul3A_177 : i32
        %dma_start3A_179 = arith.constant 0 : i32
        %dma_start3A_180 = tpu.memref_slice %arg2[%add3A_178, %dma_start3A_179] : memref<262144x256xf32, #tpu.memory_space<hbm>> -> memref<32x256xf32, #tpu.memory_space<hbm>>
        %dma_start3A_181 = arith.constant 0 : i32
        %dma_start3A_182 = tpu.memref_slice %arg2[%add3A_178, %dma_start3A_181] : memref<262144x256xf32, #tpu.memory_space<hbm>> -> memref<32x256xf32, #tpu.memory_space<hbm>>
        tpu.enqueue_dma source(%dma_start3A_182 : memref<32x256xf32, #tpu.memory_space<hbm>>) target(%arg6 : memref<32x256xf32, #tpu.memory_space<vmem>>) target_semaphore(%arg14 : memref<!tpu.dma_semaphore, #tpu.memory_space<semaphore_mem>>)
      } else {
      }
      %mul3A_143 = arith.constant 4 : i32
      %mul3A_144 = arith.muli %scan3A_54, %mul3A_143 : i32
      %add3A_145 = arith.constant 3 : i32
      %add3A_146 = arith.addi %mul3A_144, %add3A_145 : i32
      %mul3A_147 = arith.constant 32 : i32
      %mul3A_148 = arith.muli %add3A_146, %mul3A_147 : i32
      %add3A_149 = arith.addi %mul3A_2, %mul3A_148 : i32
      %dma_wait3A_150 = arith.constant 0 : i32
      %dma_wait3A_151 = tpu.memref_slice %arg2[%add3A_149, %dma_wait3A_150] : memref<262144x256xf32, #tpu.memory_space<hbm>> -> memref<32x256xf32, #tpu.memory_space<hbm>>
      %dma_wait3A_152 = arith.constant 0 : i32
      %dma_wait3A_153 = tpu.memref_slice %arg2[%add3A_149, %dma_wait3A_152] : memref<262144x256xf32, #tpu.memory_space<hbm>> -> memref<32x256xf32, #tpu.memory_space<hbm>>
      tpu.wait_dma2 semaphore(%arg15 : memref<!tpu.dma_semaphore, #tpu.memory_space<semaphore_mem>>) src(%dma_wait3A_153 : memref<32x256xf32, #tpu.memory_space<hbm>>) dst(%arg7 : memref<32x256xf32, #tpu.memory_space<vmem>>)
      %gt3A_154 = arith.constant 0 : i32
      %gt3A_155 = arith.cmpi sgt, %scan3A_54, %gt3A_154 : i32
      %convert_element_type3A_156 = arith.extui %gt3A_155 : i1 to i32
      %cond3A_157 = arith.constant 0 : i32
      %cond3A_158 = arith.cmpi ne, %convert_element_type3A_156, %cond3A_157 : i32
      scf.if %cond3A_158 {
        %sub3A = arith.constant 4 : i32
        %sub3A_174 = arith.subi %add3A_146, %sub3A : i32
        %mul3A_175 = arith.constant 32 : i32
        %mul3A_176 = arith.muli %sub3A_174, %mul3A_175 : i32
        %add3A_177 = arith.addi %mul3A_2, %mul3A_176 : i32
        %dma_wait3A_178 = arith.constant 0 : i32
        %dma_wait3A_179 = tpu.memref_slice %arg3[%add3A_177, %dma_wait3A_178] : memref<262144x256xf32, #tpu.memory_space<hbm>> -> memref<32x256xf32, #tpu.memory_space<hbm>>
        %dma_wait3A_180 = arith.constant 0 : i32
        %dma_wait3A_181 = tpu.memref_slice %arg3[%add3A_177, %dma_wait3A_180] : memref<262144x256xf32, #tpu.memory_space<hbm>> -> memref<32x256xf32, #tpu.memory_space<hbm>>
        tpu.wait_dma2 semaphore(%arg19 : memref<!tpu.dma_semaphore, #tpu.memory_space<semaphore_mem>>) src(%arg11 : memref<32x256xf32, #tpu.memory_space<vmem>>) dst(%dma_wait3A_181 : memref<32x256xf32, #tpu.memory_space<hbm>>)
      } else {
      }
      %parallel_loop3A_159 = arith.constant 0 : i32
      %parallel_loop3A_160 = arith.constant 32 : i32
      %parallel_loop3A_161 = arith.constant 1 : i32
      scf.for %parallel_loop3A_174 = %parallel_loop3A_159 to %parallel_loop3A_160 step %parallel_loop3A_161  : i32 {
        %parallel_loop3A_175 = arith.index_cast %parallel_loop3A_174 : i32 to index
        %parallel_loop3A_176 = arith.constant 240 : index
        %parallel_loop3A_177 = tpu.vector_load %arg7[%parallel_loop3A_175, %parallel_loop3A_176] {strides = array<i32>} : memref<32x256xf32, #tpu.memory_space<vmem>>, vector<1x16xf32>,
        %parallel_loop3A_178 = vector.shape_cast %parallel_loop3A_177 : vector<1x16xf32> to vector<16xf32>
        %parallel_loop3A_179 = arith.constant 15 : i32
        %parallel_loop3A_180 = vector.broadcast %parallel_loop3A_179 : i32 to vector<16xi32>
        %parallel_loop3A_181 = tpu.iota {dimensions = array<i32: 0>} : vector<16xi32>
        %parallel_loop3A_182 = arith.subi %parallel_loop3A_180, %parallel_loop3A_181 : vector<16xi32>
        %parallel_loop3A_183 = tpu.dynamic_gather %parallel_loop3A_178[%parallel_loop3A_182] in [0] : vector<16xf32>, vector<16xi32> -> vector<16xf32>
        %parallel_loop3A_184 = arith.index_cast %parallel_loop3A_174 : i32 to index
        %parallel_loop3A_185 = arith.constant 0 : index
        %parallel_loop3A_186 = tpu.vector_load %arg11[%parallel_loop3A_184, %parallel_loop3A_185] {strides = array<i32>} : memref<32x256xf32, #tpu.memory_space<vmem>>, vector<1x16xf32>,
        %parallel_loop3A_187 = vector.shape_cast %parallel_loop3A_186 : vector<1x16xf32> to vector<16xf32>
        %parallel_loop3A_188 = vector.shape_cast %parallel_loop3A_183 : vector<16xf32> to vector<1x16xf32>
        tpu.vector_store %arg11[%parallel_loop3A_184, %parallel_loop3A_185], %parallel_loop3A_188 {strides = array<i32>} : memref<32x256xf32, #tpu.memory_space<vmem>>, vector<1x16xf32>,
        %parallel_loop3A_189 = arith.index_cast %parallel_loop3A_174 : i32 to index
        %parallel_loop3A_190 = arith.constant 224 : index
        %parallel_loop3A_191 = tpu.vector_load %arg7[%parallel_loop3A_189, %parallel_loop3A_190] {strides = array<i32>} : memref<32x256xf32, #tpu.memory_space<vmem>>, vector<1x16xf32>,
        %parallel_loop3A_192 = vector.shape_cast %parallel_loop3A_191 : vector<1x16xf32> to vector<16xf32>
        %parallel_loop3A_193 = arith.constant 15 : i32
        %parallel_loop3A_194 = vector.broadcast %parallel_loop3A_193 : i32 to vector<16xi32>
        %parallel_loop3A_195 = tpu.iota {dimensions = array<i32: 0>} : vector<16xi32>
        %parallel_loop3A_196 = arith.subi %parallel_loop3A_194, %parallel_loop3A_195 : vector<16xi32>
        %parallel_loop3A_197 = tpu.dynamic_gather %parallel_loop3A_192[%parallel_loop3A_196] in [0] : vector<16xf32>, vector<16xi32> -> vector<16xf32>
        %parallel_loop3A_198 = arith.index_cast %parallel_loop3A_174 : i32 to index
        %parallel_loop3A_199 = arith.constant 16 : index
        %parallel_loop3A_200 = tpu.vector_load %arg11[%parallel_loop3A_198, %parallel_loop3A_199] {strides = array<i32>} : memref<32x256xf32, #tpu.memory_space<vmem>>, vector<1x16xf32>,
        %parallel_loop3A_201 = vector.shape_cast %parallel_loop3A_200 : vector<1x16xf32> to vector<16xf32>
        %parallel_loop3A_202 = vector.shape_cast %parallel_loop3A_197 : vector<16xf32> to vector<1x16xf32>
        tpu.vector_store %arg11[%parallel_loop3A_198, %parallel_loop3A_199], %parallel_loop3A_202 {strides = array<i32>} : memref<32x256xf32, #tpu.memory_space<vmem>>, vector<1x16xf32>,
        %parallel_loop3A_203 = arith.index_cast %parallel_loop3A_174 : i32 to index
        %parallel_loop3A_204 = arith.constant 208 : index
        %parallel_loop3A_205 = tpu.vector_load %arg7[%parallel_loop3A_203, %parallel_loop3A_204] {strides = array<i32>} : memref<32x256xf32, #tpu.memory_space<vmem>>, vector<1x16xf32>,
        %parallel_loop3A_206 = vector.shape_cast %parallel_loop3A_205 : vector<1x16xf32> to vector<16xf32>
        %parallel_loop3A_207 = arith.constant 15 : i32
        %parallel_loop3A_208 = vector.broadcast %parallel_loop3A_207 : i32 to vector<16xi32>
        %parallel_loop3A_209 = tpu.iota {dimensions = array<i32: 0>} : vector<16xi32>
        %parallel_loop3A_210 = arith.subi %parallel_loop3A_208, %parallel_loop3A_209 : vector<16xi32>
        %parallel_loop3A_211 = tpu.dynamic_gather %parallel_loop3A_206[%parallel_loop3A_210] in [0] : vector<16xf32>, vector<16xi32> -> vector<16xf32>
        %parallel_loop3A_212 = arith.index_cast %parallel_loop3A_174 : i32 to index
        %parallel_loop3A_213 = arith.constant 32 : index
        %parallel_loop3A_214 = tpu.vector_load %arg11[%parallel_loop3A_212, %parallel_loop3A_213] {strides = array<i32>} : memref<32x256xf32, #tpu.memory_space<vmem>>, vector<1x16xf32>,
        %parallel_loop3A_215 = vector.shape_cast %parallel_loop3A_214 : vector<1x16xf32> to vector<16xf32>
        %parallel_loop3A_216 = vector.shape_cast %parallel_loop3A_211 : vector<16xf32> to vector<1x16xf32>
        tpu.vector_store %arg11[%parallel_loop3A_212, %parallel_loop3A_213], %parallel_loop3A_216 {strides = array<i32>} : memref<32x256xf32, #tpu.memory_space<vmem>>, vector<1x16xf32>,
        %parallel_loop3A_217 = arith.index_cast %parallel_loop3A_174 : i32 to index
        %parallel_loop3A_218 = arith.constant 192 : index
        %parallel_loop3A_219 = tpu.vector_load %arg7[%parallel_loop3A_217, %parallel_loop3A_218] {strides = array<i32>} : memref<32x256xf32, #tpu.memory_space<vmem>>, vector<1x16xf32>,
        %parallel_loop3A_220 = vector.shape_cast %parallel_loop3A_219 : vector<1x16xf32> to vector<16xf32>
        %parallel_loop3A_221 = arith.constant 15 : i32
        %parallel_loop3A_222 = vector.broadcast %parallel_loop3A_221 : i32 to vector<16xi32>
        %parallel_loop3A_223 = tpu.iota {dimensions = array<i32: 0>} : vector<16xi32>
        %parallel_loop3A_224 = arith.subi %parallel_loop3A_222, %parallel_loop3A_223 : vector<16xi32>
        %parallel_loop3A_225 = tpu.dynamic_gather %parallel_loop3A_220[%parallel_loop3A_224] in [0] : vector<16xf32>, vector<16xi32> -> vector<16xf32>
        %parallel_loop3A_226 = arith.index_cast %parallel_loop3A_174 : i32 to index
        %parallel_loop3A_227 = arith.constant 48 : index
        %parallel_loop3A_228 = tpu.vector_load %arg11[%parallel_loop3A_226, %parallel_loop3A_227] {strides = array<i32>} : memref<32x256xf32, #tpu.memory_space<vmem>>, vector<1x16xf32>,
        %parallel_loop3A_229 = vector.shape_cast %parallel_loop3A_228 : vector<1x16xf32> to vector<16xf32>
        %parallel_loop3A_230 = vector.shape_cast %parallel_loop3A_225 : vector<16xf32> to vector<1x16xf32>
        tpu.vector_store %arg11[%parallel_loop3A_226, %parallel_loop3A_227], %parallel_loop3A_230 {strides = array<i32>} : memref<32x256xf32, #tpu.memory_space<vmem>>, vector<1x16xf32>,
        %parallel_loop3A_231 = arith.index_cast %parallel_loop3A_174 : i32 to index
        %parallel_loop3A_232 = arith.constant 176 : index
        %parallel_loop3A_233 = tpu.vector_load %arg7[%parallel_loop3A_231, %parallel_loop3A_232] {strides = array<i32>} : memref<32x256xf32, #tpu.memory_space<vmem>>, vector<1x16xf32>,
        %parallel_loop3A_234 = vector.shape_cast %parallel_loop3A_233 : vector<1x16xf32> to vector<16xf32>
        %parallel_loop3A_235 = arith.constant 15 : i32
        %parallel_loop3A_236 = vector.broadcast %parallel_loop3A_235 : i32 to vector<16xi32>
        %parallel_loop3A_237 = tpu.iota {dimensions = array<i32: 0>} : vector<16xi32>
        %parallel_loop3A_238 = arith.subi %parallel_loop3A_236, %parallel_loop3A_237 : vector<16xi32>
        %parallel_loop3A_239 = tpu.dynamic_gather %parallel_loop3A_234[%parallel_loop3A_238] in [0] : vector<16xf32>, vector<16xi32> -> vector<16xf32>
        %parallel_loop3A_240 = arith.index_cast %parallel_loop3A_174 : i32 to index
        %parallel_loop3A_241 = arith.constant 64 : index
        %parallel_loop3A_242 = tpu.vector_load %arg11[%parallel_loop3A_240, %parallel_loop3A_241] {strides = array<i32>} : memref<32x256xf32, #tpu.memory_space<vmem>>, vector<1x16xf32>,
        %parallel_loop3A_243 = vector.shape_cast %parallel_loop3A_242 : vector<1x16xf32> to vector<16xf32>
        %parallel_loop3A_244 = vector.shape_cast %parallel_loop3A_239 : vector<16xf32> to vector<1x16xf32>
        tpu.vector_store %arg11[%parallel_loop3A_240, %parallel_loop3A_241], %parallel_loop3A_244 {strides = array<i32>} : memref<32x256xf32, #tpu.memory_space<vmem>>, vector<1x16xf32>,
        %parallel_loop3A_245 = arith.index_cast %parallel_loop3A_174 : i32 to index
        %parallel_loop3A_246 = arith.constant 160 : index
        %parallel_loop3A_247 = tpu.vector_load %arg7[%parallel_loop3A_245, %parallel_loop3A_246] {strides = array<i32>} : memref<32x256xf32, #tpu.memory_space<vmem>>, vector<1x16xf32>,
        %parallel_loop3A_248 = vector.shape_cast %parallel_loop3A_247 : vector<1x16xf32> to vector<16xf32>
        %parallel_loop3A_249 = arith.constant 15 : i32
        %parallel_loop3A_250 = vector.broadcast %parallel_loop3A_249 : i32 to vector<16xi32>
        %parallel_loop3A_251 = tpu.iota {dimensions = array<i32: 0>} : vector<16xi32>
        %parallel_loop3A_252 = arith.subi %parallel_loop3A_250, %parallel_loop3A_251 : vector<16xi32>
        %parallel_loop3A_253 = tpu.dynamic_gather %parallel_loop3A_248[%parallel_loop3A_252] in [0] : vector<16xf32>, vector<16xi32> -> vector<16xf32>
        %parallel_loop3A_254 = arith.index_cast %parallel_loop3A_174 : i32 to index
        %parallel_loop3A_255 = arith.constant 80 : index
        %parallel_loop3A_256 = tpu.vector_load %arg11[%parallel_loop3A_254, %parallel_loop3A_255] {strides = array<i32>} : memref<32x256xf32, #tpu.memory_space<vmem>>, vector<1x16xf32>,
        %parallel_loop3A_257 = vector.shape_cast %parallel_loop3A_256 : vector<1x16xf32> to vector<16xf32>
        %parallel_loop3A_258 = vector.shape_cast %parallel_loop3A_253 : vector<16xf32> to vector<1x16xf32>
        tpu.vector_store %arg11[%parallel_loop3A_254, %parallel_loop3A_255], %parallel_loop3A_258 {strides = array<i32>} : memref<32x256xf32, #tpu.memory_space<vmem>>, vector<1x16xf32>,
        %parallel_loop3A_259 = arith.index_cast %parallel_loop3A_174 : i32 to index
        %parallel_loop3A_260 = arith.constant 144 : index
        %parallel_loop3A_261 = tpu.vector_load %arg7[%parallel_loop3A_259, %parallel_loop3A_260] {strides = array<i32>} : memref<32x256xf32, #tpu.memory_space<vmem>>, vector<1x16xf32>,
        %parallel_loop3A_262 = vector.shape_cast %parallel_loop3A_261 : vector<1x16xf32> to vector<16xf32>
        %parallel_loop3A_263 = arith.constant 15 : i32
        %parallel_loop3A_264 = vector.broadcast %parallel_loop3A_263 : i32 to vector<16xi32>
        %parallel_loop3A_265 = tpu.iota {dimensions = array<i32: 0>} : vector<16xi32>
        %parallel_loop3A_266 = arith.subi %parallel_loop3A_264, %parallel_loop3A_265 : vector<16xi32>
        %parallel_loop3A_267 = tpu.dynamic_gather %parallel_loop3A_262[%parallel_loop3A_266] in [0] : vector<16xf32>, vector<16xi32> -> vector<16xf32>
        %parallel_loop3A_268 = arith.index_cast %parallel_loop3A_174 : i32 to index
        %parallel_loop3A_269 = arith.constant 96 : index
        %parallel_loop3A_270 = tpu.vector_load %arg11[%parallel_loop3A_268, %parallel_loop3A_269] {strides = array<i32>} : memref<32x256xf32, #tpu.memory_space<vmem>>, vector<1x16xf32>,
        %parallel_loop3A_271 = vector.shape_cast %parallel_loop3A_270 : vector<1x16xf32> to vector<16xf32>
        %parallel_loop3A_272 = vector.shape_cast %parallel_loop3A_267 : vector<16xf32> to vector<1x16xf32>
        tpu.vector_store %arg11[%parallel_loop3A_268, %parallel_loop3A_269], %parallel_loop3A_272 {strides = array<i32>} : memref<32x256xf32, #tpu.memory_space<vmem>>, vector<1x16xf32>,
        %parallel_loop3A_273 = arith.index_cast %parallel_loop3A_174 : i32 to index
        %parallel_loop3A_274 = arith.constant 128 : index
        %parallel_loop3A_275 = tpu.vector_load %arg7[%parallel_loop3A_273, %parallel_loop3A_274] {strides = array<i32>} : memref<32x256xf32, #tpu.memory_space<vmem>>, vector<1x16xf32>,
        %parallel_loop3A_276 = vector.shape_cast %parallel_loop3A_275 : vector<1x16xf32> to vector<16xf32>
        %parallel_loop3A_277 = arith.constant 15 : i32
        %parallel_loop3A_278 = vector.broadcast %parallel_loop3A_277 : i32 to vector<16xi32>
        %parallel_loop3A_279 = tpu.iota {dimensions = array<i32: 0>} : vector<16xi32>
        %parallel_loop3A_280 = arith.subi %parallel_loop3A_278, %parallel_loop3A_279 : vector<16xi32>
        %parallel_loop3A_281 = tpu.dynamic_gather %parallel_loop3A_276[%parallel_loop3A_280] in [0] : vector<16xf32>, vector<16xi32> -> vector<16xf32>
        %parallel_loop3A_282 = arith.index_cast %parallel_loop3A_174 : i32 to index
        %parallel_loop3A_283 = arith.constant 112 : index
        %parallel_loop3A_284 = tpu.vector_load %arg11[%parallel_loop3A_282, %parallel_loop3A_283] {strides = array<i32>} : memref<32x256xf32, #tpu.memory_space<vmem>>, vector<1x16xf32>,
        %parallel_loop3A_285 = vector.shape_cast %parallel_loop3A_284 : vector<1x16xf32> to vector<16xf32>
        %parallel_loop3A_286 = vector.shape_cast %parallel_loop3A_281 : vector<16xf32> to vector<1x16xf32>
        tpu.vector_store %arg11[%parallel_loop3A_282, %parallel_loop3A_283], %parallel_loop3A_286 {strides = array<i32>} : memref<32x256xf32, #tpu.memory_space<vmem>>, vector<1x16xf32>,
        %parallel_loop3A_287 = arith.index_cast %parallel_loop3A_174 : i32 to index
        %parallel_loop3A_288 = arith.constant 112 : index
        %parallel_loop3A_289 = tpu.vector_load %arg7[%parallel_loop3A_287, %parallel_loop3A_288] {strides = array<i32>} : memref<32x256xf32, #tpu.memory_space<vmem>>, vector<1x16xf32>,
        %parallel_loop3A_290 = vector.shape_cast %parallel_loop3A_289 : vector<1x16xf32> to vector<16xf32>
        %parallel_loop3A_291 = arith.constant 15 : i32
        %parallel_loop3A_292 = vector.broadcast %parallel_loop3A_291 : i32 to vector<16xi32>
        %parallel_loop3A_293 = tpu.iota {dimensions = array<i32: 0>} : vector<16xi32>
        %parallel_loop3A_294 = arith.subi %parallel_loop3A_292, %parallel_loop3A_293 : vector<16xi32>
        %parallel_loop3A_295 = tpu.dynamic_gather %parallel_loop3A_290[%parallel_loop3A_294] in [0] : vector<16xf32>, vector<16xi32> -> vector<16xf32>
        %parallel_loop3A_296 = arith.index_cast %parallel_loop3A_174 : i32 to index
        %parallel_loop3A_297 = arith.constant 128 : index
        %parallel_loop3A_298 = tpu.vector_load %arg11[%parallel_loop3A_296, %parallel_loop3A_297] {strides = array<i32>} : memref<32x256xf32, #tpu.memory_space<vmem>>, vector<1x16xf32>,
        %parallel_loop3A_299 = vector.shape_cast %parallel_loop3A_298 : vector<1x16xf32> to vector<16xf32>
        %parallel_loop3A_300 = vector.shape_cast %parallel_loop3A_295 : vector<16xf32> to vector<1x16xf32>
        tpu.vector_store %arg11[%parallel_loop3A_296, %parallel_loop3A_297], %parallel_loop3A_300 {strides = array<i32>} : memref<32x256xf32, #tpu.memory_space<vmem>>, vector<1x16xf32>,
        %parallel_loop3A_301 = arith.index_cast %parallel_loop3A_174 : i32 to index
        %parallel_loop3A_302 = arith.constant 96 : index
        %parallel_loop3A_303 = tpu.vector_load %arg7[%parallel_loop3A_301, %parallel_loop3A_302] {strides = array<i32>} : memref<32x256xf32, #tpu.memory_space<vmem>>, vector<1x16xf32>,
        %parallel_loop3A_304 = vector.shape_cast %parallel_loop3A_303 : vector<1x16xf32> to vector<16xf32>
        %parallel_loop3A_305 = arith.constant 15 : i32
        %parallel_loop3A_306 = vector.broadcast %parallel_loop3A_305 : i32 to vector<16xi32>
        %parallel_loop3A_307 = tpu.iota {dimensions = array<i32: 0>} : vector<16xi32>
        %parallel_loop3A_308 = arith.subi %parallel_loop3A_306, %parallel_loop3A_307 : vector<16xi32>
        %parallel_loop3A_309 = tpu.dynamic_gather %parallel_loop3A_304[%parallel_loop3A_308] in [0] : vector<16xf32>, vector<16xi32> -> vector<16xf32>
        %parallel_loop3A_310 = arith.index_cast %parallel_loop3A_174 : i32 to index
        %parallel_loop3A_311 = arith.constant 144 : index
        %parallel_loop3A_312 = tpu.vector_load %arg11[%parallel_loop3A_310, %parallel_loop3A_311] {strides = array<i32>} : memref<32x256xf32, #tpu.memory_space<vmem>>, vector<1x16xf32>,
        %parallel_loop3A_313 = vector.shape_cast %parallel_loop3A_312 : vector<1x16xf32> to vector<16xf32>
        %parallel_loop3A_314 = vector.shape_cast %parallel_loop3A_309 : vector<16xf32> to vector<1x16xf32>
        tpu.vector_store %arg11[%parallel_loop3A_310, %parallel_loop3A_311], %parallel_loop3A_314 {strides = array<i32>} : memref<32x256xf32, #tpu.memory_space<vmem>>, vector<1x16xf32>,
        %parallel_loop3A_315 = arith.index_cast %parallel_loop3A_174 : i32 to index
        %parallel_loop3A_316 = arith.constant 80 : index
        %parallel_loop3A_317 = tpu.vector_load %arg7[%parallel_loop3A_315, %parallel_loop3A_316] {strides = array<i32>} : memref<32x256xf32, #tpu.memory_space<vmem>>, vector<1x16xf32>,
        %parallel_loop3A_318 = vector.shape_cast %parallel_loop3A_317 : vector<1x16xf32> to vector<16xf32>
        %parallel_loop3A_319 = arith.constant 15 : i32
        %parallel_loop3A_320 = vector.broadcast %parallel_loop3A_319 : i32 to vector<16xi32>
        %parallel_loop3A_321 = tpu.iota {dimensions = array<i32: 0>} : vector<16xi32>
        %parallel_loop3A_322 = arith.subi %parallel_loop3A_320, %parallel_loop3A_321 : vector<16xi32>
        %parallel_loop3A_323 = tpu.dynamic_gather %parallel_loop3A_318[%parallel_loop3A_322] in [0] : vector<16xf32>, vector<16xi32> -> vector<16xf32>
        %parallel_loop3A_324 = arith.index_cast %parallel_loop3A_174 : i32 to index
        %parallel_loop3A_325 = arith.constant 160 : index
        %parallel_loop3A_326 = tpu.vector_load %arg11[%parallel_loop3A_324, %parallel_loop3A_325] {strides = array<i32>} : memref<32x256xf32, #tpu.memory_space<vmem>>, vector<1x16xf32>,
        %parallel_loop3A_327 = vector.shape_cast %parallel_loop3A_326 : vector<1x16xf32> to vector<16xf32>
        %parallel_loop3A_328 = vector.shape_cast %parallel_loop3A_323 : vector<16xf32> to vector<1x16xf32>
        tpu.vector_store %arg11[%parallel_loop3A_324, %parallel_loop3A_325], %parallel_loop3A_328 {strides = array<i32>} : memref<32x256xf32, #tpu.memory_space<vmem>>, vector<1x16xf32>,
        %parallel_loop3A_329 = arith.index_cast %parallel_loop3A_174 : i32 to index
        %parallel_loop3A_330 = arith.constant 64 : index
        %parallel_loop3A_331 = tpu.vector_load %arg7[%parallel_loop3A_329, %parallel_loop3A_330] {strides = array<i32>} : memref<32x256xf32, #tpu.memory_space<vmem>>, vector<1x16xf32>,
        %parallel_loop3A_332 = vector.shape_cast %parallel_loop3A_331 : vector<1x16xf32> to vector<16xf32>
        %parallel_loop3A_333 = arith.constant 15 : i32
        %parallel_loop3A_334 = vector.broadcast %parallel_loop3A_333 : i32 to vector<16xi32>
        %parallel_loop3A_335 = tpu.iota {dimensions = array<i32: 0>} : vector<16xi32>
        %parallel_loop3A_336 = arith.subi %parallel_loop3A_334, %parallel_loop3A_335 : vector<16xi32>
        %parallel_loop3A_337 = tpu.dynamic_gather %parallel_loop3A_332[%parallel_loop3A_336] in [0] : vector<16xf32>, vector<16xi32> -> vector<16xf32>
        %parallel_loop3A_338 = arith.index_cast %parallel_loop3A_174 : i32 to index
        %parallel_loop3A_339 = arith.constant 176 : index
        %parallel_loop3A_340 = tpu.vector_load %arg11[%parallel_loop3A_338, %parallel_loop3A_339] {strides = array<i32>} : memref<32x256xf32, #tpu.memory_space<vmem>>, vector<1x16xf32>,
        %parallel_loop3A_341 = vector.shape_cast %parallel_loop3A_340 : vector<1x16xf32> to vector<16xf32>
        %parallel_loop3A_342 = vector.shape_cast %parallel_loop3A_337 : vector<16xf32> to vector<1x16xf32>
        tpu.vector_store %arg11[%parallel_loop3A_338, %parallel_loop3A_339], %parallel_loop3A_342 {strides = array<i32>} : memref<32x256xf32, #tpu.memory_space<vmem>>, vector<1x16xf32>,
        %parallel_loop3A_343 = arith.index_cast %parallel_loop3A_174 : i32 to index
        %parallel_loop3A_344 = arith.constant 48 : index
        %parallel_loop3A_345 = tpu.vector_load %arg7[%parallel_loop3A_343, %parallel_loop3A_344] {strides = array<i32>} : memref<32x256xf32, #tpu.memory_space<vmem>>, vector<1x16xf32>,
        %parallel_loop3A_346 = vector.shape_cast %parallel_loop3A_345 : vector<1x16xf32> to vector<16xf32>
        %parallel_loop3A_347 = arith.constant 15 : i32
        %parallel_loop3A_348 = vector.broadcast %parallel_loop3A_347 : i32 to vector<16xi32>
        %parallel_loop3A_349 = tpu.iota {dimensions = array<i32: 0>} : vector<16xi32>
        %parallel_loop3A_350 = arith.subi %parallel_loop3A_348, %parallel_loop3A_349 : vector<16xi32>
        %parallel_loop3A_351 = tpu.dynamic_gather %parallel_loop3A_346[%parallel_loop3A_350] in [0] : vector<16xf32>, vector<16xi32> -> vector<16xf32>
        %parallel_loop3A_352 = arith.index_cast %parallel_loop3A_174 : i32 to index
        %parallel_loop3A_353 = arith.constant 192 : index
        %parallel_loop3A_354 = tpu.vector_load %arg11[%parallel_loop3A_352, %parallel_loop3A_353] {strides = array<i32>} : memref<32x256xf32, #tpu.memory_space<vmem>>, vector<1x16xf32>,
        %parallel_loop3A_355 = vector.shape_cast %parallel_loop3A_354 : vector<1x16xf32> to vector<16xf32>
        %parallel_loop3A_356 = vector.shape_cast %parallel_loop3A_351 : vector<16xf32> to vector<1x16xf32>
        tpu.vector_store %arg11[%parallel_loop3A_352, %parallel_loop3A_353], %parallel_loop3A_356 {strides = array<i32>} : memref<32x256xf32, #tpu.memory_space<vmem>>, vector<1x16xf32>,
        %parallel_loop3A_357 = arith.index_cast %parallel_loop3A_174 : i32 to index
        %parallel_loop3A_358 = arith.constant 32 : index
        %parallel_loop3A_359 = tpu.vector_load %arg7[%parallel_loop3A_357, %parallel_loop3A_358] {strides = array<i32>} : memref<32x256xf32, #tpu.memory_space<vmem>>, vector<1x16xf32>,
        %parallel_loop3A_360 = vector.shape_cast %parallel_loop3A_359 : vector<1x16xf32> to vector<16xf32>
        %parallel_loop3A_361 = arith.constant 15 : i32
        %parallel_loop3A_362 = vector.broadcast %parallel_loop3A_361 : i32 to vector<16xi32>
        %parallel_loop3A_363 = tpu.iota {dimensions = array<i32: 0>} : vector<16xi32>
        %parallel_loop3A_364 = arith.subi %parallel_loop3A_362, %parallel_loop3A_363 : vector<16xi32>
        %parallel_loop3A_365 = tpu.dynamic_gather %parallel_loop3A_360[%parallel_loop3A_364] in [0] : vector<16xf32>, vector<16xi32> -> vector<16xf32>
        %parallel_loop3A_366 = arith.index_cast %parallel_loop3A_174 : i32 to index
        %parallel_loop3A_367 = arith.constant 208 : index
        %parallel_loop3A_368 = tpu.vector_load %arg11[%parallel_loop3A_366, %parallel_loop3A_367] {strides = array<i32>} : memref<32x256xf32, #tpu.memory_space<vmem>>, vector<1x16xf32>,
        %parallel_loop3A_369 = vector.shape_cast %parallel_loop3A_368 : vector<1x16xf32> to vector<16xf32>
        %parallel_loop3A_370 = vector.shape_cast %parallel_loop3A_365 : vector<16xf32> to vector<1x16xf32>
        tpu.vector_store %arg11[%parallel_loop3A_366, %parallel_loop3A_367], %parallel_loop3A_370 {strides = array<i32>} : memref<32x256xf32, #tpu.memory_space<vmem>>, vector<1x16xf32>,
        %parallel_loop3A_371 = arith.index_cast %parallel_loop3A_174 : i32 to index
        %parallel_loop3A_372 = arith.constant 16 : index
        %parallel_loop3A_373 = tpu.vector_load %arg7[%parallel_loop3A_371, %parallel_loop3A_372] {strides = array<i32>} : memref<32x256xf32, #tpu.memory_space<vmem>>, vector<1x16xf32>,
        %parallel_loop3A_374 = vector.shape_cast %parallel_loop3A_373 : vector<1x16xf32> to vector<16xf32>
        %parallel_loop3A_375 = arith.constant 15 : i32
        %parallel_loop3A_376 = vector.broadcast %parallel_loop3A_375 : i32 to vector<16xi32>
        %parallel_loop3A_377 = tpu.iota {dimensions = array<i32: 0>} : vector<16xi32>
        %parallel_loop3A_378 = arith.subi %parallel_loop3A_376, %parallel_loop3A_377 : vector<16xi32>
        %parallel_loop3A_379 = tpu.dynamic_gather %parallel_loop3A_374[%parallel_loop3A_378] in [0] : vector<16xf32>, vector<16xi32> -> vector<16xf32>
        %parallel_loop3A_380 = arith.index_cast %parallel_loop3A_174 : i32 to index
        %parallel_loop3A_381 = arith.constant 224 : index
        %parallel_loop3A_382 = tpu.vector_load %arg11[%parallel_loop3A_380, %parallel_loop3A_381] {strides = array<i32>} : memref<32x256xf32, #tpu.memory_space<vmem>>, vector<1x16xf32>,
        %parallel_loop3A_383 = vector.shape_cast %parallel_loop3A_382 : vector<1x16xf32> to vector<16xf32>
        %parallel_loop3A_384 = vector.shape_cast %parallel_loop3A_379 : vector<16xf32> to vector<1x16xf32>
        tpu.vector_store %arg11[%parallel_loop3A_380, %parallel_loop3A_381], %parallel_loop3A_384 {strides = array<i32>} : memref<32x256xf32, #tpu.memory_space<vmem>>, vector<1x16xf32>,
        %parallel_loop3A_385 = arith.index_cast %parallel_loop3A_174 : i32 to index
        %parallel_loop3A_386 = arith.constant 0 : index
        %parallel_loop3A_387 = tpu.vector_load %arg7[%parallel_loop3A_385, %parallel_loop3A_386] {strides = array<i32>} : memref<32x256xf32, #tpu.memory_space<vmem>>, vector<1x16xf32>,
        %parallel_loop3A_388 = vector.shape_cast %parallel_loop3A_387 : vector<1x16xf32> to vector<16xf32>
        %parallel_loop3A_389 = arith.constant 15 : i32
        %parallel_loop3A_390 = vector.broadcast %parallel_loop3A_389 : i32 to vector<16xi32>
        %parallel_loop3A_391 = tpu.iota {dimensions = array<i32: 0>} : vector<16xi32>
        %parallel_loop3A_392 = arith.subi %parallel_loop3A_390, %parallel_loop3A_391 : vector<16xi32>
        %parallel_loop3A_393 = tpu.dynamic_gather %parallel_loop3A_388[%parallel_loop3A_392] in [0] : vector<16xf32>, vector<16xi32> -> vector<16xf32>
        %parallel_loop3A_394 = arith.index_cast %parallel_loop3A_174 : i32 to index
        %parallel_loop3A_395 = arith.constant 240 : index
        %parallel_loop3A_396 = tpu.vector_load %arg11[%parallel_loop3A_394, %parallel_loop3A_395] {strides = array<i32>} : memref<32x256xf32, #tpu.memory_space<vmem>>, vector<1x16xf32>,
        %parallel_loop3A_397 = vector.shape_cast %parallel_loop3A_396 : vector<1x16xf32> to vector<16xf32>
        %parallel_loop3A_398 = vector.shape_cast %parallel_loop3A_393 : vector<16xf32> to vector<1x16xf32>
        tpu.vector_store %arg11[%parallel_loop3A_394, %parallel_loop3A_395], %parallel_loop3A_398 {strides = array<i32>} : memref<32x256xf32, #tpu.memory_space<vmem>>, vector<1x16xf32>,
      } {sc.loop_unroll_factor = 1 : i64, sc.parallel_access}
      %mul3A_162 = arith.constant 32 : i32
      %mul3A_163 = arith.muli %add3A_146, %mul3A_162 : i32
      %add3A_164 = arith.addi %mul3A_2, %mul3A_163 : i32
      %dma_start3A_165 = arith.constant 0 : i32
      %dma_start3A_166 = tpu.memref_slice %arg3[%add3A_164, %dma_start3A_165] : memref<262144x256xf32, #tpu.memory_space<hbm>> -> memref<32x256xf32, #tpu.memory_space<hbm>>
      %dma_start3A_167 = arith.constant 0 : i32
      %dma_start3A_168 = tpu.memref_slice %arg3[%add3A_164, %dma_start3A_167] : memref<262144x256xf32, #tpu.memory_space<hbm>> -> memref<32x256xf32, #tpu.memory_space<hbm>>
      tpu.enqueue_dma source(%arg11 : memref<32x256xf32, #tpu.memory_space<vmem>>) target(%dma_start3A_168 : memref<32x256xf32, #tpu.memory_space<hbm>>) target_semaphore(%arg19 : memref<!tpu.dma_semaphore, #tpu.memory_space<semaphore_mem>>)
      %lt3A_169 = arith.constant 63 : i32
      %lt3A_170 = arith.cmpi slt, %scan3A_54, %lt3A_169 : i32
      %convert_element_type3A_171 = arith.extui %lt3A_170 : i1 to i32
      %cond3A_172 = arith.constant 0 : i32
      %cond3A_173 = arith.cmpi ne, %convert_element_type3A_171, %cond3A_172 : i32
      scf.if %cond3A_173 {
        %add3A_174 = arith.constant 4 : i32
        %add3A_175 = arith.addi %add3A_146, %add3A_174 : i32
        %mul3A_176 = arith.constant 32 : i32
        %mul3A_177 = arith.muli %add3A_175, %mul3A_176 : i32
        %add3A_178 = arith.addi %mul3A_2, %mul3A_177 : i32
        %dma_start3A_179 = arith.constant 0 : i32
        %dma_start3A_180 = tpu.memref_slice %arg2[%add3A_178, %dma_start3A_179] : memref<262144x256xf32, #tpu.memory_space<hbm>> -> memref<32x256xf32, #tpu.memory_space<hbm>>
        %dma_start3A_181 = arith.constant 0 : i32
        %dma_start3A_182 = tpu.memref_slice %arg2[%add3A_178, %dma_start3A_181] : memref<262144x256xf32, #tpu.memory_space<hbm>> -> memref<32x256xf32, #tpu.memory_space<hbm>>
        tpu.enqueue_dma source(%dma_start3A_182 : memref<32x256xf32, #tpu.memory_space<hbm>>) target(%arg7 : memref<32x256xf32, #tpu.memory_space<vmem>>) target_semaphore(%arg15 : memref<!tpu.dma_semaphore, #tpu.memory_space<semaphore_mem>>)
      } else {
      }
    }
    %scan3A_30 = arith.constant 64 : i32
    %add3A_31 = arith.constant 8064 : i32
    %add3A_32 = arith.addi %mul3A_2, %add3A_31 : i32
    %dma_wait3A = arith.constant 0 : i32
    %dma_wait3A_33 = tpu.memref_slice %arg3[%add3A_32, %dma_wait3A] : memref<262144x256xf32, #tpu.memory_space<hbm>> -> memref<32x256xf32, #tpu.memory_space<hbm>>
    %dma_wait3A_34 = arith.constant 0 : i32
    %dma_wait3A_35 = tpu.memref_slice %arg3[%add3A_32, %dma_wait3A_34] : memref<262144x256xf32, #tpu.memory_space<hbm>> -> memref<32x256xf32, #tpu.memory_space<hbm>>
    tpu.wait_dma2 semaphore(%arg16 : memref<!tpu.dma_semaphore, #tpu.memory_space<semaphore_mem>>) src(%arg8 : memref<32x256xf32, #tpu.memory_space<vmem>>) dst(%dma_wait3A_35 : memref<32x256xf32, #tpu.memory_space<hbm>>)
    %add3A_36 = arith.constant 8096 : i32
    %add3A_37 = arith.addi %mul3A_2, %add3A_36 : i32
    %dma_wait3A_38 = arith.constant 0 : i32
    %dma_wait3A_39 = tpu.memref_slice %arg3[%add3A_37, %dma_wait3A_38] : memref<262144x256xf32, #tpu.memory_space<hbm>> -> memref<32x256xf32, #tpu.memory_space<hbm>>
    %dma_wait3A_40 = arith.constant 0 : i32
    %dma_wait3A_41 = tpu.memref_slice %arg3[%add3A_37, %dma_wait3A_40] : memref<262144x256xf32, #tpu.memory_space<hbm>> -> memref<32x256xf32, #tpu.memory_space<hbm>>
    tpu.wait_dma2 semaphore(%arg17 : memref<!tpu.dma_semaphore, #tpu.memory_space<semaphore_mem>>) src(%arg9 : memref<32x256xf32, #tpu.memory_space<vmem>>) dst(%dma_wait3A_41 : memref<32x256xf32, #tpu.memory_space<hbm>>)
    %add3A_42 = arith.constant 8128 : i32
    %add3A_43 = arith.addi %mul3A_2, %add3A_42 : i32
    %dma_wait3A_44 = arith.constant 0 : i32
    %dma_wait3A_45 = tpu.memref_slice %arg3[%add3A_43, %dma_wait3A_44] : memref<262144x256xf32, #tpu.memory_space<hbm>> -> memref<32x256xf32, #tpu.memory_space<hbm>>
    %dma_wait3A_46 = arith.constant 0 : i32
    %dma_wait3A_47 = tpu.memref_slice %arg3[%add3A_43, %dma_wait3A_46] : memref<262144x256xf32, #tpu.memory_space<hbm>> -> memref<32x256xf32, #tpu.memory_space<hbm>>
    tpu.wait_dma2 semaphore(%arg18 : memref<!tpu.dma_semaphore, #tpu.memory_space<semaphore_mem>>) src(%arg10 : memref<32x256xf32, #tpu.memory_space<vmem>>) dst(%dma_wait3A_47 : memref<32x256xf32, #tpu.memory_space<hbm>>)
    %add3A_48 = arith.constant 8160 : i32
    %add3A_49 = arith.addi %mul3A_2, %add3A_48 : i32
    %dma_wait3A_50 = arith.constant 0 : i32
    %dma_wait3A_51 = tpu.memref_slice %arg3[%add3A_49, %dma_wait3A_50] : memref<262144x256xf32, #tpu.memory_space<hbm>> -> memref<32x256xf32, #tpu.memory_space<hbm>>
    %dma_wait3A_52 = arith.constant 0 : i32
    %dma_wait3A_53 = tpu.memref_slice %arg3[%add3A_49, %dma_wait3A_52] : memref<262144x256xf32, #tpu.memory_space<hbm>> -> memref<32x256xf32, #tpu.memory_space<hbm>>
    tpu.wait_dma2 semaphore(%arg19 : memref<!tpu.dma_semaphore, #tpu.memory_space<semaphore_mem>>) src(%arg11 : memref<32x256xf32, #tpu.memory_space<vmem>>) dst(%dma_wait3A_53 : memref<32x256xf32, #tpu.memory_space<hbm>>)
    return
  }
}

</mosaic_0001>

<sc_bundles>
// kernel: _reverse_cols.3.cloned.1.call-start
scs
__scs_entry_jumppad:
0x0: {  	(pc) =	sbr.rel $0x88, $3  }
0x1: {  	(tag) =	ssettag $0x0;
	lr =	simm.s32 $0x1  }
0x2: {  	[smem:$0x3FA0] =	sst lr;
	_ =	strace $0xD0000000  }
0x3: {  	_ = 	snop  }
0x4: {  	_ = 	snop  }
0x5: {  	_ = 	snop  }
0x6: {  	_ = 	snop  }
0x7: {  	_ = 	snop  }
__scs_overlays_trampoline_lowered:
0x8: {  	[smem:$0x3FAF] =	sst s0  }
0x9: {  	[smem:$0x3FB0] =	sst s1  }
0xa: {  	[smem:$0x3FB1] =	sst s2  }
0xb: {  	[smem:$0x3FB2] =	sst s3  }
0xc: {  	[smem:$0x3FB3] =	sst s4  }
0xd: {  	[smem:$0x3FB4] =	sst s5  }
0xe: {  	[smem:$0x3FB5] =	sst s6  }
0xf: {  	[smem:$0x3FB6] =	sst s7  }
0x10: {  	[smem:$0x3FB7] =	sst s8  }
0x11: {  	[smem:$0x3FB8] =	sst s9;
	s0 =	simm.s32 @!p0 $0x0  }
0x12: {  	s1 =	sld [smem:$0x3F9E];
	s0 =	simm.s32 @p0 $0x1  }
0x13: {  	[smem:$0x3FB9] =	sst s0;
	s0 =	simm.s32 @!p1 $0x0  }
0x14: {  	s2 =	sld [smem:$0x3F9D];
	s0 =	simm.s32 @p1 $0x1  }
0x15: {  	[smem:$0x3FBA] =	sst s0;
	s0 =	simm.s32 @!p2 $0x0  }
0x16: {  	s3 =	sld [smem:$0x3FDB];
	s0 =	simm.s32 @p2 $0x1  }
0x17: {  	s4 =	simm.s32 $0x1BF5;
	[smem:$0x3FBC] =	sst s0  }
0x18: {  	s0 =	sld [smem:$0x3F9F];
	_ =	swait.ge [sflag:s4], $0x0  }
0x19: {  	s7 =	sld [smem:$0x3FA0]  }
0x1a: {  	s8 =	sadd.s32 $0xFFFFE003, lr  }
0x1b: {  	s9 =	sadd.s32 $0xFFFFFEF7, lr;
	s5 =	simm.s32 $0xFFFFFFFF;
	p2 =	slt.u32 s8, $0xFFFFF086  }
0x1c: {  	p1 =	slt.u32 s9, $0xF7A;
	s5 =	simm.s32 @!p2 $0x0  }
0x1d: {  	s5 =	simm.s32 @p1 $0x1;
	p0 =	seq.s32 s7, s2  }
0x1e: {  	s7 =	smul.u32 @!p0 $0xF7A, s2;
	p2 =	seq.s32 @!p0 s5, $0x0  }
0x1f: {  	s9 =	smul.u32 $0xF7A, s1;
	s8 =	simm.s32 @!p0 $0x1BF5;
	p2 =	por !p2, p0  }
0x20: {  	[sflag:s8] =	ssyncset.s32 @!p0 $0xFFFFF086;
	s6 =	sadd.s32 @!p0 s3, s7;
	s7 =	simm.s32 @!p0 $0x108  }
0x21: {  	s3 =	sadd.s32 s3, s9;
	s6 =	sadd.s32 @!p0 $0x88, s6;
	s7 =	simm.s32 @p2 $0x1082  }
0x22: {  	[simem:s7], [sflag:s8] =	dma.local @!p0 [hbm:s6], $0xF7A  }
0x23: {  	s9 =	sor.u32 $0xD0000000, s2;
	s6 =	simm.s32 $0x108;
	_ =	swait.ge @!p0 [sflag:s8], $0x0  }
0x24: {  	s3 =	sadd.s32 $0x88, s3;
	s6 =	simm.s32 @!p1 $0x1082;
	[sflag:s4] =	ssyncset.s32 $0xFFFFF086  }
0x25: {  	[simem:s6], [sflag:s4] =	dma.local [hbm:s3], $0xF7A  }
0x26: {  	[smem:$0x3FA0] =	sst s1;
	(tag) =	ssettag s2;
	_ =	strace s9  }
0x27: {  	s1 =	sld [smem:$0x3FB0]  }
0x28: {  	s2 =	sld [smem:$0x3FB1]  }
0x29: {  	s4 =	sld [smem:$0x3FB3]  }
0x2a: {  	p0 =	seq.s32 s5, $0x0;
	s5 =	sld [smem:$0x3FB4]  }
0x2b: {  	s6 =	sld [smem:$0x3FB5]  }
0x2c: {  	s7 =	sld [smem:$0x3FB6]  }
0x2d: {  	s3 =	simm.s32 $0x108;
	s8 =	sld [smem:$0x3FB7]  }
0x2e: {  	s3 =	simm.s32 @!p0 $0x1082;
	s9 =	sld [smem:$0x3FB8]  }
0x2f: {  	lr =	sadd.s32 s0, s3;
	s0 =	sld [smem:$0x3FAF]  }
0x30: {  	s3 =	sld [smem:$0x3FB2]  }
0x31: {  	[smem:$0x3FBB] =	sst s10  }
0x32: {  	s10 =	sld [smem:$0x3FB9];
	_ =	sdelay $0x3  }
0x33: {  	p0 =	seq.s32 s10, $0x1;
	s10 =	sld [smem:$0x3FBB];
	_ =	sdelay $0x3  }
0x34: {  	[smem:$0x3FBB] =	sst s10  }
0x35: {  	s10 =	sld [smem:$0x3FBA];
	_ =	sdelay $0x3  }
0x36: {  	p1 =	seq.s32 s10, $0x1;
	s10 =	sld [smem:$0x3FBB];
	_ =	sdelay $0x3  }
0x37: {  	[smem:$0x3FBB] =	sst s10  }
0x38: {  	s10 =	sld [smem:$0x3FBC]  }
0x39: {  	_ = 	snop;
	(pc) =	sbr.ind lr, $3  }
0x3a: {  	_ = 	snop  }
0x3b: {  	_ = 	snop  }
0x3c: {  	p2 =	seq.s32 s10, $0x1;
	s10 =	sld [smem:$0x3FBB]  }
0x3d: {  	_ =	shalt  }
0x3e: {  	_ =	shalt  }
0x3f: {  	_ =	shalt  }
0x40: {  	_ =	shalt  }
0x41: {  	_ =	shalt  }
0x42: {  	_ =	shalt  }
0x43: {  	_ =	shalt  }
0x44: {  	_ =	shalt  }
0x45: {  	_ =	shalt  }
0x46: {  	_ =	shalt  }
0x47: {  	_ =	shalt  }
0x48: {  	_ =	shalt  }
0x49: {  	_ =	shalt  }
0x4a: {  	_ =	shalt  }
0x4b: {  	_ =	shalt  }
0x4c: {  	_ =	shalt  }
0x4d: {  	_ =	shalt  }
0x4e: {  	_ =	shalt  }
0x4f: {  	_ =	shalt  }
0x50: {  	_ =	shalt  }
0x51: {  	_ =	shalt  }
0x52: {  	_ =	shalt  }
0x53: {  	_ =	shalt  }
0x54: {  	_ =	shalt  }
0x55: {  	_ =	shalt  }
0x56: {  	_ =	shalt  }
0x57: {  	_ =	shalt  }
0x58: {  	_ =	shalt  }
0x59: {  	_ =	shalt  }
0x5a: {  	_ =	shalt  }
0x5b: {  	_ =	shalt  }
0x5c: {  	_ =	shalt  }
0x5d: {  	_ =	shalt  }
0x5e: {  	_ =	shalt  }
0x5f: {  	_ =	shalt  }
0x60: {  	_ =	shalt  }
0x61: {  	_ =	shalt  }
0x62: {  	_ =	shalt  }
0x63: {  	_ =	shalt  }
0x64: {  	_ =	shalt  }
0x65: {  	_ =	shalt  }
0x66: {  	_ =	shalt  }
0x67: {  	_ =	shalt  }
0x68: {  	_ =	shalt  }
0x69: {  	_ =	shalt  }
0x6a: {  	_ =	shalt  }
0x6b: {  	_ =	shalt  }
0x6c: {  	_ =	shalt  }
0x6d: {  	_ =	shalt  }
0x6e: {  	_ =	shalt  }
0x6f: {  	_ =	shalt  }
0x70: {  	_ =	shalt  }
0x71: {  	_ =	shalt  }
0x72: {  	_ =	shalt  }
0x73: {  	_ =	shalt  }
0x74: {  	_ =	shalt  }
0x75: {  	_ =	shalt  }
0x76: {  	_ =	shalt  }
0x77: {  	_ =	shalt  }
0x78: {  	_ =	shalt  }
0x79: {  	_ =	shalt  }
0x7a: {  	_ =	shalt  }
0x7b: {  	_ =	shalt  }
0x7c: {  	_ =	shalt  }
0x7d: {  	_ =	shalt  }
0x7e: {  	_ =	shalt  }
0x7f: {  	_ =	shalt  }
0x80: {  	_ =	shalt  }
0x81: {  	_ =	shalt  }
0x82: {  	_ =	shalt  }
0x83: {  	_ =	shalt  }
0x84: {  	_ =	shalt  }
0x85: {  	_ =	shalt  }
0x86: {  	_ =	shalt  }
0x87: {  	_ =	shalt  }
.Lfunc_end0:
.L_simem_size_0:
called_computation_lowered:
.L_overlay_start_0:
0x88: {  	s2 =	sld [smem:$0x3FD9]  }
0x89: {  	s3 =	sld [smem:$0x3FFE];
	_ =	sdelay $0x1  }
0x8a: {  	s1 =	srdreg.scid  }
0x8b: {  	s0 =	sand.u32 $0x1, s1  }
0x8c: {  	s18 =	sshll.u32 s0, $0xA;
	s2 =	sadd.s32 s3, s2  }
0x8d: {  	s2 =	sadd.s32 s2, s18  }
0x8e: {  	[smem:$0x3FC7] =	sst s2  }
0x8f: {  	_ = 	snop  }
0x90: {  	s2 =	sld [smem:$0x3FC9]  }
0x91: {  	s19 =	sld [smem:$0x3FD0];
	(tm) =	ssettm $0x1  }
0x92: {  	s4 =	sld [smem:$0x3FFB];
	_ =	sdelay $0x3  }
0x93: {  	_ =	strace s4  }
0x94: {  	s4 =	sld [smem:$0x3FFC];
	_ =	sdelay $0x3  }
0x95: {  	_ =	strace s4  }
0x96: {  	s4 =	sld [smem:$0x3FFD];
	_ =	sdelay $0x3  }
0x97: {  	_ =	strace s4  }
0x98: {  	_ =	strace $0x8FFFFFFF  }
0x99: {  	s20 =	sld [smem:$0x3FDB];
	_ =	sdelay $0x1  }
0x9a: {  	s5 =	simm.s32 $_scs_section_size  }
0x9b: {  	s6 =	simm.s32 $_size__tile_overlayer_lowered;
	s7 =	simm.s32 $_tile_overlayer_lowered  }
0x9c: {  	s23 =	simm.s32 $0x1BFF;
	s22 =	sshll.u32 s7, $0x1;
	s4 =	sadd.s32 s5, s20  }
0x9d: {  	s8 =	simm.s32 $0x0;
	s21 =	sshll.u32 s6, $0x1;
	s6 =	sadd.s32 s22, s4  }
0x9e: {  	[timem:s8], [sflag:s23] =	dma.local [hbm:s6], s21  }
0x9f: {  	_ =	swait.ge [sflag:s23], s21  }
0xa0: {  	s5 =	ssub.s32 $0x0, s21;
	[sflag:s23] =	ssyncset.done $0x0  }
0xa1: {  	[sflag:s23] =	ssyncadd.s32 s5;
	_ =	sdelay $0x1  }
0xa2: {  	s24 =	simm.s32 $0x1B8B  }
0xa3: {  	_ =	swait.ge [sflag:s24], $0x1  }
0xa4: {  	[sflag:s24] =	ssyncset.done $0x0  }
0xa5: {  	s25 =	simm.s32 $0x1B8E;
	[sflag:s24] =	ssyncadd.s32 $0xFFFFFFFF  }
0xa6: {  	s26 =	simm.s32 $execute0_lowered;
	[smem:$0x3FD2] =	sst s25  }
0xa7: {  	s5 =	sshll.u32 s26, $0x1;
	_ =	strace $0x80000046;
	[dreg:$0x1] =	wrdreg $0xFFFFFFFF  }
0xa8: {  	s28 =	simm.s32 $_size_execute0_lowered;
	s4 =	sadd.s32 s4, s5;
	[dreg:$0x0] =	wrdreg $0x0  }
0xa9: {  	s5 =	sshll.u32 s28, $0x1;
	[dreg:$0x2] =	wrdreg s4  }
0xaa: {  	[dreg:$0x3] =	wrdreg s5  }
0xab: {  	[dreg:$0x4] =	wrdreg $0xC0  }
0xac: {  	_ =	task [dreg:s8], $0x5FFFF  }
0xad: {  	[dreg:$0x1] =	wrdreg $0xFFFFFFFF  }
0xae: {  	[dreg:$0x0] =	wrdreg $0x60  }
0xaf: {  	[dreg:$0x2] =	wrdreg s2  }
0xb0: {  	[dreg:$0x3] =	wrdreg s19  }
0xb1: {  	[dreg:$0x4] =	wrdreg $0x9  }
0xb2: {  	_ =	task.clear_ibuf [dreg:s8], $0x5FFFF;
	_ =	strace $0x90000046  }
0xb3: {  	s29 =	simm.s32 $0x9;
	_ =	strace $0x80000048  }
0xb4: {  	_ =	swait.ge [sflag:s29], $0x1  }
0xb5: {  	[sflag:s29] =	ssyncadd.s32 $0xFFFFFFFF  }
0xb6: {  	_ =	strace $0x90000048  }
0xb7: {  	_ =	sfence  }
0xb8: {  	s30 =	sld [smem:$0x0];
	_ =	sdelay $0x2  }
0xb9: {  	s31 =	sshll.u32 s1, $0xD;
	s1 =	sshrl.u32 s1, $0x2  }
0xba: {  	s3 =	sand.u32 $0x4000, s31;
	s1 =	sadd.s32 s1, s30  }
0xbb: {  	s0 =	sor.u32 s3, s0;
	s1 =	sshll.u32 s1, $0x11  }
0xbc: {  	s0 =	sor.u32 s1, s0  }
0xbd: {  	s0 =	sadd.s32 $0x8F2B, s0  }
0xbe: {  	[sflag:s0] =	ssyncadd.remote.s32 $0x1  }
0xbf: {  	_ =	sfence.sel $0xFFFF  }
0xc0: {  	[dreg:$0x0] =	wrdreg $0xFFFFFFFF;
	(pc) =	sbr.abs _section_cstart, $3  }
0xc1: {  	[dreg:$0x1] =	wrdreg $0xFFFFFFFF  }
0xc2: {  	_ =	task.clear_ibuf [dreg:s8], $0x2FFFF;
	_ =	strace $0x9FFFFFFF  }
0xc3: {  	(tm) =	ssettm $0x7FFFFFFF  }
tec
execute0_lowered:
.L_overlay_start_1:
0x0: {  	(tag) =	ssettag $0x1  }
0x1: {  	s0 =	srdreg.scid;
	s2 =	rddreg [dreg:$0x0]  }
0x2: {  	s1 =	stileid.u32;
	s3 =	rddreg [dreg:$0x1];
	s5 =	simm.s32 $0x0  }
0x3: {  	s18 =	simm.s32 $0x6000;
	s19 =	simm.s32 $0x1;
	s20 =	simm.s32 $0x8000  }
0x4: {  	s21 =	simm.s32 $0x2;
	s22 =	simm.s32 $0xA000;
	s23 =	simm.s32 $0x3  }
0x5: {  	s24 =	simm.s32 $0xC000;
	s29 =	simm.s32 $0x6;
	s30 =	simm.s32 $0x7  }
0x6: {  	s31 =	simm.s32 $0x8;
	s0 =	sand.u32 $0x1, s0;
	s1 =	sshll.u32 s1, $0xE  }
0x7: {  	[smem:$0x7FF] =	sst s5;
	s4 =	sshll.u32 s0, $0xD;
	s0 =	ssub.s32 $0x2, s0  }
0x8: {  	_ =	strace $0x80000047;
	s4 =	sor.u32 s4, s1;
	s6 =	sshrl.u32 s0, $0x1  }
0x9: {  	s1 =	sshll.u32 s4, $0x5;
	s0 =	ssub.s32 s0, s6;
	s11 =	sor.u32 $0x80, s4  }
0xa: {  	s12 =	sor.u32 $0xA0, s4;
	s13 =	sor.u32 $0xC0, s4;
	s7 =	sadd.s32 s2, s1  }
.Ltmp0:
0xb: {  	s0 =	smax.u32 s0, $0x1;
	[dreg:$0x3] =	wrdreg s7;
	(pc) =	sbr.rel .LBB2_1-.Ltmp0, $4  }
0xc: {  	v0 =	vlaneseq.u32;
	s14 =	sor.u32 $0xE0, s4;
	s25 =	sadd.s32 $0x400, s7;
	[dreg:$0x7] =	wrdreg s0  }
0xd: {  	v0 =	vmul.u32 $0xFFFFFFFF, v0;
	s10 =	sadd.s32 s3, s1;
	s26 =	sadd.s32 $0x800, s7;
	[dreg:$0x4] =	wrdreg s25  }
0xe: {  	s1 =	simm.s32 $0x0;
	s28 =	sadd.s32 $0xC00, s7;
	[dreg:$0x5] =	wrdreg s26  }
0xf: {  	v0 =	vadd.s32 $0xF, v0;
	[dreg:$0x6] =	wrdreg s28;
	s25 =	simm.s32 $0x4;
	s26 =	simm.s32 $0xE000  }
.LBB2_12:
0x10: {  	s0 =	simm.s32 $0x5  }
0x11: {  	_ =	swait.ge [sflag:s0], $0x2000  }
0x12: {  	[sflag:s0] =	ssyncset.done $0x0  }
0x13: {  	[sflag:s0] =	ssyncadd.s32 $0xFFFFE000  }
0x14: {  	_ =	swait.ge [sflag:s29], $0x2000  }
0x15: {  	[sflag:s29] =	ssyncset.done $0x0  }
0x16: {  	[sflag:s29] =	ssyncadd.s32 $0xFFFFE000  }
0x17: {  	_ =	swait.ge [sflag:s30], $0x2000  }
0x18: {  	[sflag:s30] =	ssyncset.done $0x0  }
0x19: {  	[sflag:s30] =	ssyncadd.s32 $0xFFFFE000  }
0x1a: {  	_ =	swait.ge [sflag:s31], $0x2000  }
0x1b: {  	s1 =	sadd.s32 $0x1, s1;
	s28 =	rddreg [dreg:$0x7]  }
0x1c: {  	p0 =	sne.s32 s1, s28  }
.Ltmp1:
0x1d: {  	_ = 	snop;
	(pc) =	sbr.rel @!p0 .LBB2_13-.Ltmp1, $3  }
0x1e: {  	_ =	sdelay $0x1  }
0x1f: {  	[sflag:s31] =	ssyncset.done $0x0  }
0x20: {  	[sflag:s31] =	ssyncadd.s32 $0xFFFFE000  }
.LBB2_1:
0x21: {  	s0 =	rddreg [dreg:$0x3]  }
0x22: {  	[tilespmem:s5], [sflag:$0x1] =	stream.linear.gather [hbm4b:s0+s5], $0x2000, $0x38;
	[tilespmem:$0x10000] =	vst v63  }
0x23: {  	s15 =	rddreg [dreg:$0x4];
	s6 =	simm.s32 $0x2000  }
0x24: {  	[tilespmem:s6], [sflag:$0x2] =	stream.linear.gather [hbm4b:s15+s5], $0x2000, $0x38;
	[tilespmem:$0x10000] =	vst v63  }
0x25: {  	s16 =	rddreg [dreg:$0x5];
	s17 =	simm.s32 $0x4000  }
0x26: {  	[tilespmem:s17], [sflag:$0x3] =	stream.linear.gather [hbm4b:s16+s5], $0x2000, $0x38;
	[tilespmem:$0x10000] =	vst v63  }
0x27: {  	s28 =	rddreg [dreg:$0x6];
	s0 =	simm.s32 $0x0  }
0x28: {  	[tilespmem:s18], [sflag:$0x4] =	stream.linear.gather [hbm4b:s28+s5], $0x2000, $0x38;
	[tilespmem:$0x10000] =	vst v63  }
.LBB2_2:
0x29: {  	_ =	swait.ge [sflag:s19], $0x2000  }
0x2a: {  	p0 =	seq.s32 s0, $0x0;
	[sflag:s19] =	ssyncset.done $0x0  }
0x2b: {  	s6 =	simm.s32 @!p0 $0x5;
	[sflag:s19] =	ssyncadd.s32 $0xFFFFE000  }
0x2c: {  	s7 =	simm.s32 $0x0;
	_ =	swait.ge @!p0 [sflag:s6], $0x2000  }
0x2d: {  	s8 =	sand.u32 $0x1800, s7;
	s7 =	sand.u32 $0x380, s7;
	[sflag:s6] =	ssyncset.done @!p0 $0x0  }
0x2e: {  	s7 =	sor.u32 s7, s8;
	[sflag:s6] =	ssyncadd.s32 @!p0 $0xFFFFE000  }
0x2f: {  	v1 =	vld [tilespmem:s7+$0x0]  }
0x30: {  	v2 =	vld [tilespmem:s7+$0x470]  }
0x31: {  	v3 =	vld [tilespmem:s7+$0x460]  }
0x32: {  	v4 =	vld [tilespmem:s7+$0x450]  }
0x33: {  	v5 =	vld [tilespmem:s7+$0x440]  }
0x34: {  	v6 =	vld [tilespmem:s7+$0x430];
	v1 =	vperm.xlane v1, v0  }
0x35: {  	v7 =	vld [tilespmem:s7+$0x420];
	v2 =	vperm.xlane v2, v0  }
0x36: {  	v8 =	vld [tilespmem:s7+$0x410];
	[tilespmem:s7+$0x8470] =	vst v1;
	v1 =	vperm.xlane v3, v0  }
0x37: {  	v9 =	vld [tilespmem:s7+$0x400];
	[tilespmem:s7+$0x8000] =	vst v2;
	v2 =	vperm.xlane v4, v0  }
0x38: {  	v10 =	vld [tilespmem:s7+$0x70];
	[tilespmem:s7+$0x8010] =	vst v1;
	v1 =	vperm.xlane v5, v0  }
0x39: {  	v4 =	vld [tilespmem:s7+$0x60];
	[tilespmem:s7+$0x8020] =	vst v2;
	v2 =	vperm.xlane v6, v0  }
0x3a: {  	v3 =	vperm.xlane v7, v0;
	[tilespmem:s7+$0x8030] =	vst v1;
	v1 =	vld [tilespmem:s7+$0x50]  }
0x3b: {  	v5 =	vperm.xlane v8, v0;
	[tilespmem:s7+$0x8040] =	vst v2;
	v2 =	vld [tilespmem:s7+$0x40]  }
0x3c: {  	s16 =	sshll.u32 s0, $0x7;
	s28 =	simm.s32 $0x100;
	s8 =	simm.s32 $0x80;
	[tilespmem:s7+$0x8050] =	vst v3;
	v3 =	vld [tilespmem:s7+$0x30];
	v6 =	vperm.xlane v9, v0  }
0x3d: {  	s9 =	simm.s32 $0x200;
	s15 =	sand.u32 $0x1800, s28;
	s6 =	sand.u32 $0x380, s8;
	v7 =	vperm.xlane v10, v0;
	[tilespmem:s7+$0x8060] =	vst v5;
	v5 =	vld [tilespmem:s7+$0x20]  }
.LBB2_3:
0x3e: {  	p1 =	sne.s32 s9, $0x1F00;
	s6 =	sor.u32 s6, s15;
	[tilespmem:s7+$0x8070] =	vst v6;
	v4 =	vperm.xlane v4, v0;
	v6 =	vld [tilespmem:s7+$0x10]  }
0x3f: {  	v8 =	vld [tilespmem:s6+$0x0];
	[tilespmem:s7+$0x8400] =	vst v7;
	v1 =	vperm.xlane v1, v0  }
0x40: {  	v7 =	vld [tilespmem:s6+$0x470];
	[tilespmem:s7+$0x8410] =	vst v4;
	v2 =	vperm.xlane v2, v0  }
0x41: {  	v4 =	vld [tilespmem:s6+$0x460];
	[tilespmem:s7+$0x8420] =	vst v1;
	v1 =	vperm.xlane v3, v0  }
0x42: {  	v3 =	vld [tilespmem:s6+$0x450];
	[tilespmem:s7+$0x8430] =	vst v2;
	v2 =	vperm.xlane v5, v0  }
0x43: {  	v5 =	vld [tilespmem:s6+$0x440];
	[tilespmem:s7+$0x8440] =	vst v1;
	v1 =	vperm.xlane v6, v0  }
0x44: {  	v6 =	vld [tilespmem:s6+$0x430];
	v8 =	vperm.xlane v8, v0;
	[tilespmem:s7+$0x8450] =	vst v2  }
0x45: {  	v2 =	vperm.xlane v7, v0;
	v7 =	vld [tilespmem:s6+$0x420];
	[tilespmem:s7+$0x8460] =	vst v1;
	s7 =	smov.u32 s6  }
0x46: {  	v1 =	vperm.xlane v4, v0;
	v9 =	vld [tilespmem:s7+$0x410];
	[tilespmem:s7+$0x8470] =	vst v8  }
0x47: {  	[tilespmem:s7+$0x8000] =	vst v2;
	v2 =	vperm.xlane v3, v0;
	v3 =	vld [tilespmem:s7+$0x400]  }
0x48: {  	[tilespmem:s7+$0x8010] =	vst v1;
	v1 =	vperm.xlane v5, v0;
	v5 =	vld [tilespmem:s7+$0x70]  }
.Ltmp2:
0x49: {  	[tilespmem:s7+$0x8020] =	vst v2;
	v2 =	vperm.xlane v6, v0;
	v4 =	vld [tilespmem:s7+$0x60];
	(pc) =	sbr.rel @p1 .LBB2_3-.Ltmp2, $4  }
0x4a: {  	[tilespmem:s7+$0x8030] =	vst v1;
	v6 =	vperm.xlane v7, v0;
	v1 =	vld [tilespmem:s7+$0x50]  }
0x4b: {  	[tilespmem:s7+$0x8040] =	vst v2;
	v7 =	vperm.xlane v9, v0;
	v2 =	vld [tilespmem:s7+$0x40]  }
0x4c: {  	s8 =	sadd.s32 $0x80, s8;
	[tilespmem:s7+$0x8050] =	vst v6;
	v6 =	vperm.xlane v3, v0;
	v3 =	vld [tilespmem:s7+$0x30]  }
0x4d: {  	s15 =	sand.u32 $0x1800, s9;
	s9 =	sadd.s32 $0x100, s9;
	s6 =	sand.u32 $0x380, s8;
	[tilespmem:s7+$0x8060] =	vst v7;
	v7 =	vperm.xlane v5, v0;
	v5 =	vld [tilespmem:s7+$0x20]  }
0x4e: {  	[tilespmem:s7+$0x8070] =	vst v6;
	s8 =	sor.u32 s6, s15;
	v4 =	vperm.xlane v4, v0;
	v6 =	vld [tilespmem:s7+$0x10]  }
0x4f: {  	v8 =	vld [tilespmem:s8+$0x0];
	[tilespmem:s7+$0x8400] =	vst v7;
	v1 =	vperm.xlane v1, v0  }
0x50: {  	v7 =	vld [tilespmem:s8+$0x470];
	[tilespmem:s7+$0x8410] =	vst v4;
	v2 =	vperm.xlane v2, v0  }
0x51: {  	v4 =	vld [tilespmem:s8+$0x460];
	[tilespmem:s7+$0x8420] =	vst v1;
	v1 =	vperm.xlane v3, v0  }
0x52: {  	v3 =	vld [tilespmem:s8+$0x450];
	[tilespmem:s7+$0x8430] =	vst v2;
	v2 =	vperm.xlane v5, v0  }
0x53: {  	v5 =	vld [tilespmem:s8+$0x440];
	[tilespmem:s7+$0x8440] =	vst v1;
	v1 =	vperm.xlane v6, v0  }
0x54: {  	v6 =	vld [tilespmem:s8+$0x430];
	v8 =	vperm.xlane v8, v0;
	[tilespmem:s7+$0x8450] =	vst v2  }
0x55: {  	v2 =	vperm.xlane v7, v0;
	v7 =	vld [tilespmem:s8+$0x420];
	[tilespmem:s7+$0x8460] =	vst v1  }
0x56: {  	v1 =	vperm.xlane v4, v0;
	v4 =	vld [tilespmem:s8+$0x410];
	[tilespmem:s8+$0x8470] =	vst v8  }
0x57: {  	[tilespmem:s8+$0x8000] =	vst v2;
	v2 =	vperm.xlane v3, v0;
	v3 =	vld [tilespmem:s8+$0x400]  }
0x58: {  	[tilespmem:s8+$0x8010] =	vst v1;
	v1 =	vperm.xlane v5, v0;
	v5 =	vld [tilespmem:s8+$0x70]  }
0x59: {  	[tilespmem:s8+$0x8020] =	vst v2;
	v2 =	vperm.xlane v6, v0;
	v6 =	vld [tilespmem:s8+$0x60]  }
0x5a: {  	[tilespmem:s8+$0x8030] =	vst v1;
	v1 =	vperm.xlane v7, v0;
	v7 =	vld [tilespmem:s8+$0x50]  }
0x5b: {  	[tilespmem:s8+$0x8040] =	vst v2;
	v2 =	vperm.xlane v4, v0;
	v4 =	vld [tilespmem:s8+$0x40]  }
0x5c: {  	[tilespmem:s8+$0x8050] =	vst v1;
	v1 =	vperm.xlane v3, v0;
	v3 =	vld [tilespmem:s8+$0x30]  }
0x5d: {  	[tilespmem:s8+$0x8060] =	vst v2;
	v2 =	vperm.xlane v5, v0;
	v5 =	vld [tilespmem:s8+$0x20]  }
0x5e: {  	[tilespmem:s8+$0x8070] =	vst v1;
	v1 =	vperm.xlane v6, v0;
	v6 =	vld [tilespmem:s8+$0x10]  }
0x5f: {  	[tilespmem:s8+$0x8400] =	vst v2;
	v2 =	vperm.xlane v7, v0  }
0x60: {  	[tilespmem:s8+$0x8410] =	vst v1;
	v1 =	vperm.xlane v4, v0  }
0x61: {  	[tilespmem:s8+$0x8420] =	vst v2;
	v2 =	vperm.xlane v3, v0  }
0x62: {  	[tilespmem:s8+$0x8430] =	vst v1;
	v1 =	vperm.xlane v5, v0  }
0x63: {  	[tilespmem:s8+$0x8440] =	vst v2;
	v2 =	vperm.xlane v6, v0  }
0x64: {  	s7 =	sshll.u32 s0, $0xC;
	[tilespmem:s8+$0x8450] =	vst v1  }
0x65: {  	p1 =	seq.s32 s0, $0x3F;
	s6 =	sadd.s32 s7, s10;
	[tilespmem:s8+$0x8460] =	vst v2  }
0x66: {  	[hbm4b:s6+s5] =	stream.linear.scatter [tilespmem:s20], [sflag:$0x5], $0x2000, $0x38;
	[tilespmem:$0x10000] =	vst v63  }
0x67: {  	s6 =	sadd.s32 @!p1 s16, s11  }
0x68: {  	s6 =	sshll.u32 @!p1 s6, $0x5  }
0x69: {  	s7 =	simm.s32 @!p1 $0x0;
	s6 =	sadd.s32 @!p1 s2, s6  }
0x6a: {  	[tilespmem:s7], [sflag:$0x1] =	stream.linear.gather @!p1 [hbm4b:s6+s7], $0x2000, $0x38;
	[tilespmem:$0x10000] =	vst v63  }
0x6b: {  	_ =	swait.ge [sflag:s21], $0x2000  }
0x6c: {  	[sflag:s21] =	ssyncset.done $0x0  }
0x6d: {  	s6 =	simm.s32 @!p0 $0x6;
	[sflag:s21] =	ssyncadd.s32 $0xFFFFE000  }
0x6e: {  	s8 =	simm.s32 $0x0;
	_ =	swait.ge @!p0 [sflag:s6], $0x2000  }
0x6f: {  	s9 =	sand.u32 $0x1800, s8;
	s7 =	sand.u32 $0x380, s8;
	[sflag:s6] =	ssyncset.done @!p0 $0x0  }
0x70: {  	s8 =	sor.u32 s7, s9;
	[sflag:s6] =	ssyncadd.s32 @!p0 $0xFFFFE000  }
0x71: {  	v1 =	vld [tilespmem:s8+$0x2000]  }
0x72: {  	v2 =	vld [tilespmem:s8+$0x2470]  }
0x73: {  	v3 =	vld [tilespmem:s8+$0x2460]  }
0x74: {  	v4 =	vld [tilespmem:s8+$0x2450]  }
0x75: {  	v5 =	vld [tilespmem:s8+$0x2440]  }
0x76: {  	v6 =	vld [tilespmem:s8+$0x2430];
	v1 =	vperm.xlane v1, v0  }
0x77: {  	v7 =	vld [tilespmem:s8+$0x2420];
	v2 =	vperm.xlane v2, v0  }
0x78: {  	v8 =	vld [tilespmem:s8+$0x2410];
	[tilespmem:s8+$0xA470] =	vst v1;
	v1 =	vperm.xlane v3, v0  }
0x79: {  	v9 =	vld [tilespmem:s8+$0x2400];
	[tilespmem:s8+$0xA000] =	vst v2;
	v2 =	vperm.xlane v4, v0  }
0x7a: {  	v10 =	vld [tilespmem:s8+$0x2070];
	[tilespmem:s8+$0xA010] =	vst v1;
	v1 =	vperm.xlane v5, v0  }
0x7b: {  	v4 =	vld [tilespmem:s8+$0x2060];
	[tilespmem:s8+$0xA020] =	vst v2;
	v2 =	vperm.xlane v6, v0  }
0x7c: {  	v3 =	vperm.xlane v7, v0;
	[tilespmem:s8+$0xA030] =	vst v1;
	v1 =	vld [tilespmem:s8+$0x2050]  }
0x7d: {  	s17 =	sadd.s32 s16, s4;
	v5 =	vperm.xlane v8, v0;
	[tilespmem:s8+$0xA040] =	vst v2;
	v2 =	vld [tilespmem:s8+$0x2040]  }
0x7e: {  	s15 =	simm.s32 $0x100;
	s7 =	sadd.s32 $0x20, s17;
	s9 =	simm.s32 $0x80;
	[tilespmem:s8+$0xA050] =	vst v3;
	v3 =	vld [tilespmem:s8+$0x2030];
	v6 =	vperm.xlane v9, v0  }
0x7f: {  	s28 =	sand.u32 $0x380, s9;
	s6 =	sand.u32 $0x1800, s15;
	s15 =	simm.s32 $0x200;
	v7 =	vperm.xlane v10, v0;
	[tilespmem:s8+$0xA060] =	vst v5;
	v5 =	vld [tilespmem:s8+$0x2020]  }
.LBB2_5:
0x80: {  	p2 =	sne.s32 s15, $0x1F00;
	s6 =	sor.u32 s28, s6;
	[tilespmem:s8+$0xA070] =	vst v6;
	v4 =	vperm.xlane v4, v0;
	v6 =	vld [tilespmem:s8+$0x2010]  }
0x81: {  	v8 =	vld [tilespmem:s6+$0x2000];
	[tilespmem:s8+$0xA400] =	vst v7;
	v1 =	vperm.xlane v1, v0  }
0x82: {  	v7 =	vld [tilespmem:s6+$0x2470];
	[tilespmem:s8+$0xA410] =	vst v4;
	v2 =	vperm.xlane v2, v0  }
0x83: {  	v4 =	vld [tilespmem:s6+$0x2460];
	[tilespmem:s8+$0xA420] =	vst v1;
	v1 =	vperm.xlane v3, v0  }
0x84: {  	v3 =	vld [tilespmem:s6+$0x2450];
	[tilespmem:s8+$0xA430] =	vst v2;
	v2 =	vperm.xlane v5, v0  }
0x85: {  	v5 =	vld [tilespmem:s6+$0x2440];
	[tilespmem:s8+$0xA440] =	vst v1;
	v1 =	vperm.xlane v6, v0  }
0x86: {  	v6 =	vld [tilespmem:s6+$0x2430];
	v8 =	vperm.xlane v8, v0;
	[tilespmem:s8+$0xA450] =	vst v2  }
0x87: {  	v2 =	vperm.xlane v7, v0;
	v7 =	vld [tilespmem:s6+$0x2420];
	[tilespmem:s8+$0xA460] =	vst v1;
	s8 =	smov.u32 s6  }
0x88: {  	v1 =	vperm.xlane v4, v0;
	v9 =	vld [tilespmem:s8+$0x2410];
	[tilespmem:s8+$0xA470] =	vst v8  }
0x89: {  	[tilespmem:s8+$0xA000] =	vst v2;
	v2 =	vperm.xlane v3, v0;
	v3 =	vld [tilespmem:s8+$0x2400]  }
0x8a: {  	[tilespmem:s8+$0xA010] =	vst v1;
	v1 =	vperm.xlane v5, v0;
	v5 =	vld [tilespmem:s8+$0x2070]  }
.Ltmp3:
0x8b: {  	[tilespmem:s8+$0xA020] =	vst v2;
	v2 =	vperm.xlane v6, v0;
	v4 =	vld [tilespmem:s8+$0x2060];
	(pc) =	sbr.rel @p2 .LBB2_5-.Ltmp3, $4  }
0x8c: {  	[tilespmem:s8+$0xA030] =	vst v1;
	v6 =	vperm.xlane v7, v0;
	v1 =	vld [tilespmem:s8+$0x2050]  }
0x8d: {  	[tilespmem:s8+$0xA040] =	vst v2;
	v7 =	vperm.xlane v9, v0;
	v2 =	vld [tilespmem:s8+$0x2040]  }
0x8e: {  	s9 =	sadd.s32 $0x80, s9;
	[tilespmem:s8+$0xA050] =	vst v6;
	v6 =	vperm.xlane v3, v0;
	v3 =	vld [tilespmem:s8+$0x2030]  }
0x8f: {  	s28 =	sand.u32 $0x380, s9;
	s6 =	sand.u32 $0x1800, s15;
	s15 =	sadd.s32 $0x100, s15;
	[tilespmem:s8+$0xA060] =	vst v7;
	v7 =	vperm.xlane v5, v0;
	v5 =	vld [tilespmem:s8+$0x2020]  }
0x90: {  	[tilespmem:s8+$0xA070] =	vst v6;
	s9 =	sor.u32 s28, s6;
	v4 =	vperm.xlane v4, v0;
	v6 =	vld [tilespmem:s8+$0x2010]  }
0x91: {  	v8 =	vld [tilespmem:s9+$0x2000];
	[tilespmem:s8+$0xA400] =	vst v7;
	v1 =	vperm.xlane v1, v0  }
0x92: {  	v7 =	vld [tilespmem:s9+$0x2470];
	[tilespmem:s8+$0xA410] =	vst v4;
	v2 =	vperm.xlane v2, v0  }
0x93: {  	v4 =	vld [tilespmem:s9+$0x2460];
	[tilespmem:s8+$0xA420] =	vst v1;
	v1 =	vperm.xlane v3, v0  }
0x94: {  	v3 =	vld [tilespmem:s9+$0x2450];
	[tilespmem:s8+$0xA430] =	vst v2;
	v2 =	vperm.xlane v5, v0  }
0x95: {  	v5 =	vld [tilespmem:s9+$0x2440];
	[tilespmem:s8+$0xA440] =	vst v1;
	v1 =	vperm.xlane v6, v0  }
0x96: {  	v6 =	vld [tilespmem:s9+$0x2430];
	v8 =	vperm.xlane v8, v0;
	[tilespmem:s8+$0xA450] =	vst v2  }
0x97: {  	v2 =	vperm.xlane v7, v0;
	v7 =	vld [tilespmem:s9+$0x2420];
	[tilespmem:s8+$0xA460] =	vst v1  }
0x98: {  	v1 =	vperm.xlane v4, v0;
	v4 =	vld [tilespmem:s9+$0x2410];
	[tilespmem:s9+$0xA470] =	vst v8  }
0x99: {  	[tilespmem:s9+$0xA000] =	vst v2;
	v2 =	vperm.xlane v3, v0;
	v3 =	vld [tilespmem:s9+$0x2400]  }
0x9a: {  	[tilespmem:s9+$0xA010] =	vst v1;
	v1 =	vperm.xlane v5, v0;
	v5 =	vld [tilespmem:s9+$0x2070]  }
0x9b: {  	[tilespmem:s9+$0xA020] =	vst v2;
	v2 =	vperm.xlane v6, v0;
	v6 =	vld [tilespmem:s9+$0x2060]  }
0x9c: {  	[tilespmem:s9+$0xA030] =	vst v1;
	v1 =	vperm.xlane v7, v0;
	v7 =	vld [tilespmem:s9+$0x2050]  }
0x9d: {  	[tilespmem:s9+$0xA040] =	vst v2;
	v2 =	vperm.xlane v4, v0;
	v4 =	vld [tilespmem:s9+$0x2040]  }
0x9e: {  	[tilespmem:s9+$0xA050] =	vst v1;
	v1 =	vperm.xlane v3, v0;
	v3 =	vld [tilespmem:s9+$0x2030]  }
0x9f: {  	[tilespmem:s9+$0xA060] =	vst v2;
	v2 =	vperm.xlane v5, v0;
	v5 =	vld [tilespmem:s9+$0x2020]  }
0xa0: {  	[tilespmem:s9+$0xA070] =	vst v1;
	v1 =	vperm.xlane v6, v0;
	v6 =	vld [tilespmem:s9+$0x2010]  }
0xa1: {  	[tilespmem:s9+$0xA400] =	vst v2;
	v2 =	vperm.xlane v7, v0  }
0xa2: {  	[tilespmem:s9+$0xA410] =	vst v1;
	v1 =	vperm.xlane v4, v0  }
0xa3: {  	[tilespmem:s9+$0xA420] =	vst v2;
	v2 =	vperm.xlane v3, v0  }
0xa4: {  	[tilespmem:s9+$0xA430] =	vst v1;
	v1 =	vperm.xlane v5, v0  }
0xa5: {  	[tilespmem:s9+$0xA440] =	vst v2;
	v2 =	vperm.xlane v6, v0  }
0xa6: {  	s7 =	sshll.u32 s7, $0x5;
	[tilespmem:s9+$0xA450] =	vst v1  }
0xa7: {  	s6 =	sadd.s32 s3, s7;
	[tilespmem:s9+$0xA460] =	vst v2  }
0xa8: {  	[hbm4b:s6+s5] =	stream.linear.scatter [tilespmem:s22], [sflag:$0x6], $0x2000, $0x38;
	[tilespmem:$0x10000] =	vst v63  }
0xa9: {  	s6 =	sadd.s32 @!p1 s16, s12  }
0xaa: {  	s6 =	sshll.u32 @!p1 s6, $0x5  }
0xab: {  	s7 =	simm.s32 @!p1 $0x0;
	s8 =	simm.s32 @!p1 $0x2000;
	s6 =	sadd.s32 @!p1 s2, s6  }
0xac: {  	[tilespmem:s8], [sflag:$0x2] =	stream.linear.gather @!p1 [hbm4b:s6+s7], $0x2000, $0x38;
	[tilespmem:$0x10000] =	vst v63  }
0xad: {  	_ =	swait.ge [sflag:s23], $0x2000  }
0xae: {  	[sflag:s23] =	ssyncset.done $0x0  }
0xaf: {  	s6 =	simm.s32 @!p0 $0x7;
	[sflag:s23] =	ssyncadd.s32 $0xFFFFE000  }
0xb0: {  	s8 =	simm.s32 $0x0;
	_ =	swait.ge @!p0 [sflag:s6], $0x2000  }
0xb1: {  	s9 =	sand.u32 $0x1800, s8;
	s7 =	sand.u32 $0x380, s8;
	[sflag:s6] =	ssyncset.done @!p0 $0x0  }
0xb2: {  	s8 =	sor.u32 s7, s9;
	[sflag:s6] =	ssyncadd.s32 @!p0 $0xFFFFE000  }
0xb3: {  	v1 =	vld [tilespmem:s8+$0x4000]  }
0xb4: {  	v2 =	vld [tilespmem:s8+$0x4470]  }
0xb5: {  	v3 =	vld [tilespmem:s8+$0x4460]  }
0xb6: {  	v4 =	vld [tilespmem:s8+$0x4450]  }
0xb7: {  	v5 =	vld [tilespmem:s8+$0x4440]  }
0xb8: {  	v6 =	vld [tilespmem:s8+$0x4430];
	v1 =	vperm.xlane v1, v0  }
0xb9: {  	v7 =	vld [tilespmem:s8+$0x4420];
	v2 =	vperm.xlane v2, v0  }
0xba: {  	v8 =	vld [tilespmem:s8+$0x4410];
	[tilespmem:s8+$0xC470] =	vst v1;
	v1 =	vperm.xlane v3, v0  }
0xbb: {  	v9 =	vld [tilespmem:s8+$0x4400];
	[tilespmem:s8+$0xC000] =	vst v2;
	v2 =	vperm.xlane v4, v0  }
0xbc: {  	v10 =	vld [tilespmem:s8+$0x4070];
	[tilespmem:s8+$0xC010] =	vst v1;
	v1 =	vperm.xlane v5, v0  }
0xbd: {  	v4 =	vld [tilespmem:s8+$0x4060];
	[tilespmem:s8+$0xC020] =	vst v2;
	v2 =	vperm.xlane v6, v0  }
0xbe: {  	v3 =	vperm.xlane v7, v0;
	[tilespmem:s8+$0xC030] =	vst v1;
	v1 =	vld [tilespmem:s8+$0x4050]  }
0xbf: {  	v5 =	vperm.xlane v8, v0;
	[tilespmem:s8+$0xC040] =	vst v2;
	v2 =	vld [tilespmem:s8+$0x4040]  }
0xc0: {  	s15 =	simm.s32 $0x100;
	s7 =	sadd.s32 $0x40, s17;
	s9 =	simm.s32 $0x80;
	[tilespmem:s8+$0xC050] =	vst v3;
	v3 =	vld [tilespmem:s8+$0x4030];
	v6 =	vperm.xlane v9, v0  }
0xc1: {  	s28 =	sand.u32 $0x380, s9;
	s6 =	sand.u32 $0x1800, s15;
	s15 =	simm.s32 $0x200;
	v7 =	vperm.xlane v10, v0;
	[tilespmem:s8+$0xC060] =	vst v5;
	v5 =	vld [tilespmem:s8+$0x4020]  }
.LBB2_7:
0xc2: {  	p2 =	sne.s32 s15, $0x1F00;
	s6 =	sor.u32 s28, s6;
	[tilespmem:s8+$0xC070] =	vst v6;
	v4 =	vperm.xlane v4, v0;
	v6 =	vld [tilespmem:s8+$0x4010]  }
0xc3: {  	v8 =	vld [tilespmem:s6+$0x4000];
	[tilespmem:s8+$0xC400] =	vst v7;
	v1 =	vperm.xlane v1, v0  }
0xc4: {  	v7 =	vld [tilespmem:s6+$0x4470];
	[tilespmem:s8+$0xC410] =	vst v4;
	v2 =	vperm.xlane v2, v0  }
0xc5: {  	v4 =	vld [tilespmem:s6+$0x4460];
	[tilespmem:s8+$0xC420] =	vst v1;
	v1 =	vperm.xlane v3, v0  }
0xc6: {  	v3 =	vld [tilespmem:s6+$0x4450];
	[tilespmem:s8+$0xC430] =	vst v2;
	v2 =	vperm.xlane v5, v0  }
0xc7: {  	v5 =	vld [tilespmem:s6+$0x4440];
	[tilespmem:s8+$0xC440] =	vst v1;
	v1 =	vperm.xlane v6, v0  }
0xc8: {  	v6 =	vld [tilespmem:s6+$0x4430];
	v8 =	vperm.xlane v8, v0;
	[tilespmem:s8+$0xC450] =	vst v2  }
0xc9: {  	v2 =	vperm.xlane v7, v0;
	v7 =	vld [tilespmem:s6+$0x4420];
	[tilespmem:s8+$0xC460] =	vst v1;
	s8 =	smov.u32 s6  }
0xca: {  	v1 =	vperm.xlane v4, v0;
	v9 =	vld [tilespmem:s8+$0x4410];
	[tilespmem:s8+$0xC470] =	vst v8  }
0xcb: {  	[tilespmem:s8+$0xC000] =	vst v2;
	v2 =	vperm.xlane v3, v0;
	v3 =	vld [tilespmem:s8+$0x4400]  }
0xcc: {  	[tilespmem:s8+$0xC010] =	vst v1;
	v1 =	vperm.xlane v5, v0;
	v5 =	vld [tilespmem:s8+$0x4070]  }
.Ltmp4:
0xcd: {  	[tilespmem:s8+$0xC020] =	vst v2;
	v2 =	vperm.xlane v6, v0;
	v4 =	vld [tilespmem:s8+$0x4060];
	(pc) =	sbr.rel @p2 .LBB2_7-.Ltmp4, $4  }
0xce: {  	[tilespmem:s8+$0xC030] =	vst v1;
	v6 =	vperm.xlane v7, v0;
	v1 =	vld [tilespmem:s8+$0x4050]  }
0xcf: {  	[tilespmem:s8+$0xC040] =	vst v2;
	v7 =	vperm.xlane v9, v0;
	v2 =	vld [tilespmem:s8+$0x4040]  }
0xd0: {  	s9 =	sadd.s32 $0x80, s9;
	[tilespmem:s8+$0xC050] =	vst v6;
	v6 =	vperm.xlane v3, v0;
	v3 =	vld [tilespmem:s8+$0x4030]  }
0xd1: {  	s28 =	sand.u32 $0x380, s9;
	s6 =	sand.u32 $0x1800, s15;
	s15 =	sadd.s32 $0x100, s15;
	[tilespmem:s8+$0xC060] =	vst v7;
	v7 =	vperm.xlane v5, v0;
	v5 =	vld [tilespmem:s8+$0x4020]  }
0xd2: {  	[tilespmem:s8+$0xC070] =	vst v6;
	s9 =	sor.u32 s28, s6;
	v4 =	vperm.xlane v4, v0;
	v6 =	vld [tilespmem:s8+$0x4010]  }
0xd3: {  	v8 =	vld [tilespmem:s9+$0x4000];
	[tilespmem:s8+$0xC400] =	vst v7;
	v1 =	vperm.xlane v1, v0  }
0xd4: {  	v7 =	vld [tilespmem:s9+$0x4470];
	[tilespmem:s8+$0xC410] =	vst v4;
	v2 =	vperm.xlane v2, v0  }
0xd5: {  	v4 =	vld [tilespmem:s9+$0x4460];
	[tilespmem:s8+$0xC420] =	vst v1;
	v1 =	vperm.xlane v3, v0  }
0xd6: {  	v3 =	vld [tilespmem:s9+$0x4450];
	[tilespmem:s8+$0xC430] =	vst v2;
	v2 =	vperm.xlane v5, v0  }
0xd7: {  	v5 =	vld [tilespmem:s9+$0x4440];
	[tilespmem:s8+$0xC440] =	vst v1;
	v1 =	vperm.xlane v6, v0  }
0xd8: {  	v6 =	vld [tilespmem:s9+$0x4430];
	v8 =	vperm.xlane v8, v0;
	[tilespmem:s8+$0xC450] =	vst v2  }
0xd9: {  	v2 =	vperm.xlane v7, v0;
	v7 =	vld [tilespmem:s9+$0x4420];
	[tilespmem:s8+$0xC460] =	vst v1  }
0xda: {  	v1 =	vperm.xlane v4, v0;
	v4 =	vld [tilespmem:s9+$0x4410];
	[tilespmem:s9+$0xC470] =	vst v8  }
0xdb: {  	[tilespmem:s9+$0xC000] =	vst v2;
	v2 =	vperm.xlane v3, v0;
	v3 =	vld [tilespmem:s9+$0x4400]  }
0xdc: {  	[tilespmem:s9+$0xC010] =	vst v1;
	v1 =	vperm.xlane v5, v0;
	v5 =	vld [tilespmem:s9+$0x4070]  }
0xdd: {  	[tilespmem:s9+$0xC020] =	vst v2;
	v2 =	vperm.xlane v6, v0;
	v6 =	vld [tilespmem:s9+$0x4060]  }
0xde: {  	[tilespmem:s9+$0xC030] =	vst v1;
	v1 =	vperm.xlane v7, v0;
	v7 =	vld [tilespmem:s9+$0x4050]  }
0xdf: {  	[tilespmem:s9+$0xC040] =	vst v2;
	v2 =	vperm.xlane v4, v0;
	v4 =	vld [tilespmem:s9+$0x4040]  }
0xe0: {  	[tilespmem:s9+$0xC050] =	vst v1;
	v1 =	vperm.xlane v3, v0;
	v3 =	vld [tilespmem:s9+$0x4030]  }
0xe1: {  	[tilespmem:s9+$0xC060] =	vst v2;
	v2 =	vperm.xlane v5, v0;
	v5 =	vld [tilespmem:s9+$0x4020]  }
0xe2: {  	[tilespmem:s9+$0xC070] =	vst v1;
	v1 =	vperm.xlane v6, v0;
	v6 =	vld [tilespmem:s9+$0x4010]  }
0xe3: {  	[tilespmem:s9+$0xC400] =	vst v2;
	v2 =	vperm.xlane v7, v0  }
0xe4: {  	[tilespmem:s9+$0xC410] =	vst v1;
	v1 =	vperm.xlane v4, v0  }
0xe5: {  	[tilespmem:s9+$0xC420] =	vst v2;
	v2 =	vperm.xlane v3, v0  }
0xe6: {  	[tilespmem:s9+$0xC430] =	vst v1;
	v1 =	vperm.xlane v5, v0  }
0xe7: {  	[tilespmem:s9+$0xC440] =	vst v2;
	v2 =	vperm.xlane v6, v0  }
0xe8: {  	s8 =	sshll.u32 s7, $0x5;
	[tilespmem:s9+$0xC450] =	vst v1  }
0xe9: {  	s6 =	sadd.s32 s3, s8;
	[tilespmem:s9+$0xC460] =	vst v2  }
0xea: {  	[hbm4b:s6+s5] =	stream.linear.scatter [tilespmem:s24], [sflag:$0x7], $0x2000, $0x38;
	[tilespmem:$0x10000] =	vst v63  }
0xeb: {  	s6 =	sadd.s32 @!p1 s16, s13  }
0xec: {  	s6 =	sshll.u32 @!p1 s6, $0x5  }
0xed: {  	s7 =	simm.s32 @!p1 $0x0;
	s8 =	simm.s32 @!p1 $0x4000;
	s6 =	sadd.s32 @!p1 s2, s6  }
0xee: {  	[tilespmem:s8], [sflag:$0x3] =	stream.linear.gather @!p1 [hbm4b:s6+s7], $0x2000, $0x38;
	[tilespmem:$0x10000] =	vst v63  }
0xef: {  	_ =	swait.ge [sflag:s25], $0x2000  }
0xf0: {  	[sflag:s25] =	ssyncset.done $0x0  }
0xf1: {  	s6 =	simm.s32 @!p0 $0x8;
	[sflag:s25] =	ssyncadd.s32 $0xFFFFE000  }
0xf2: {  	s9 =	simm.s32 $0x0;
	_ =	swait.ge @!p0 [sflag:s6], $0x2000  }
0xf3: {  	s15 =	sand.u32 $0x1800, s9;
	s7 =	sand.u32 $0x380, s9;
	[sflag:s6] =	ssyncset.done @!p0 $0x0  }
0xf4: {  	s8 =	sor.u32 s7, s15;
	[sflag:s6] =	ssyncadd.s32 @!p0 $0xFFFFE000  }
0xf5: {  	v1 =	vld [tilespmem:s8+$0x6000]  }
0xf6: {  	v2 =	vld [tilespmem:s8+$0x6470]  }
0xf7: {  	v3 =	vld [tilespmem:s8+$0x6460]  }
0xf8: {  	v4 =	vld [tilespmem:s8+$0x6450]  }
0xf9: {  	v5 =	vld [tilespmem:s8+$0x6440]  }
0xfa: {  	v6 =	vld [tilespmem:s8+$0x6430];
	v1 =	vperm.xlane v1, v0  }
0xfb: {  	v7 =	vld [tilespmem:s8+$0x6420];
	v2 =	vperm.xlane v2, v0  }
0xfc: {  	v8 =	vld [tilespmem:s8+$0x6410];
	[tilespmem:s8+$0xE470] =	vst v1;
	v1 =	vperm.xlane v3, v0  }
0xfd: {  	v9 =	vld [tilespmem:s8+$0x6400];
	[tilespmem:s8+$0xE000] =	vst v2;
	v2 =	vperm.xlane v4, v0  }
0xfe: {  	v10 =	vld [tilespmem:s8+$0x6070];
	[tilespmem:s8+$0xE010] =	vst v1;
	v1 =	vperm.xlane v5, v0  }
0xff: {  	v4 =	vld [tilespmem:s8+$0x6060];
	[tilespmem:s8+$0xE020] =	vst v2;
	v2 =	vperm.xlane v6, v0  }
0x100: {  	v3 =	vperm.xlane v7, v0;
	[tilespmem:s8+$0xE030] =	vst v1;
	v1 =	vld [tilespmem:s8+$0x6050]  }
0x101: {  	v5 =	vperm.xlane v8, v0;
	[tilespmem:s8+$0xE040] =	vst v2;
	v2 =	vld [tilespmem:s8+$0x6040]  }
0x102: {  	s28 =	simm.s32 $0x100;
	s9 =	simm.s32 $0x80;
	s7 =	sadd.s32 $0x60, s17;
	[tilespmem:s8+$0xE050] =	vst v3;
	v3 =	vld [tilespmem:s8+$0x6030];
	v6 =	vperm.xlane v9, v0  }
0x103: {  	s17 =	sand.u32 $0x380, s9;
	s15 =	simm.s32 $0x200;
	s6 =	sand.u32 $0x1800, s28;
	v7 =	vperm.xlane v10, v0;
	[tilespmem:s8+$0xE060] =	vst v5;
	v5 =	vld [tilespmem:s8+$0x6020]  }
.LBB2_9:
0x104: {  	p0 =	sne.s32 s15, $0x1F00;
	s6 =	sor.u32 s17, s6;
	[tilespmem:s8+$0xE070] =	vst v6;
	v4 =	vperm.xlane v4, v0;
	v6 =	vld [tilespmem:s8+$0x6010]  }
0x105: {  	v8 =	vld [tilespmem:s6+$0x6000];
	[tilespmem:s8+$0xE400] =	vst v7;
	v1 =	vperm.xlane v1, v0  }
0x106: {  	v7 =	vld [tilespmem:s6+$0x6470];
	[tilespmem:s8+$0xE410] =	vst v4;
	v2 =	vperm.xlane v2, v0  }
0x107: {  	v4 =	vld [tilespmem:s6+$0x6460];
	[tilespmem:s8+$0xE420] =	vst v1;
	v1 =	vperm.xlane v3, v0  }
0x108: {  	v3 =	vld [tilespmem:s6+$0x6450];
	[tilespmem:s8+$0xE430] =	vst v2;
	v2 =	vperm.xlane v5, v0  }
0x109: {  	v5 =	vld [tilespmem:s6+$0x6440];
	[tilespmem:s8+$0xE440] =	vst v1;
	v1 =	vperm.xlane v6, v0  }
0x10a: {  	v6 =	vld [tilespmem:s6+$0x6430];
	v8 =	vperm.xlane v8, v0;
	[tilespmem:s8+$0xE450] =	vst v2  }
0x10b: {  	v2 =	vperm.xlane v7, v0;
	v7 =	vld [tilespmem:s6+$0x6420];
	[tilespmem:s8+$0xE460] =	vst v1;
	s8 =	smov.u32 s6  }
0x10c: {  	v1 =	vperm.xlane v4, v0;
	v9 =	vld [tilespmem:s8+$0x6410];
	[tilespmem:s8+$0xE470] =	vst v8  }
0x10d: {  	[tilespmem:s8+$0xE000] =	vst v2;
	v2 =	vperm.xlane v3, v0;
	v3 =	vld [tilespmem:s8+$0x6400]  }
0x10e: {  	[tilespmem:s8+$0xE010] =	vst v1;
	v1 =	vperm.xlane v5, v0;
	v5 =	vld [tilespmem:s8+$0x6070]  }
.Ltmp5:
0x10f: {  	[tilespmem:s8+$0xE020] =	vst v2;
	v2 =	vperm.xlane v6, v0;
	v4 =	vld [tilespmem:s8+$0x6060];
	(pc) =	sbr.rel @p0 .LBB2_9-.Ltmp5, $4  }
0x110: {  	[tilespmem:s8+$0xE030] =	vst v1;
	v6 =	vperm.xlane v7, v0;
	v1 =	vld [tilespmem:s8+$0x6050]  }
0x111: {  	[tilespmem:s8+$0xE040] =	vst v2;
	v7 =	vperm.xlane v9, v0;
	v2 =	vld [tilespmem:s8+$0x6040]  }
0x112: {  	s9 =	sadd.s32 $0x80, s9;
	[tilespmem:s8+$0xE050] =	vst v6;
	v6 =	vperm.xlane v3, v0;
	v3 =	vld [tilespmem:s8+$0x6030]  }
0x113: {  	s17 =	sand.u32 $0x380, s9;
	s6 =	sand.u32 $0x1800, s15;
	s15 =	sadd.s32 $0x100, s15;
	[tilespmem:s8+$0xE060] =	vst v7;
	v7 =	vperm.xlane v5, v0;
	v5 =	vld [tilespmem:s8+$0x6020]  }
0x114: {  	[tilespmem:s8+$0xE070] =	vst v6;
	s9 =	sor.u32 s17, s6;
	v4 =	vperm.xlane v4, v0;
	v51 =	vld [tilespmem:s8+$0x6010]  }
0x115: {  	v8 =	vld [tilespmem:s9+$0x6000];
	[tilespmem:s8+$0xE400] =	vst v7;
	v1 =	vperm.xlane v1, v0  }
0x116: {  	v52 =	vld [tilespmem:s9+$0x6470];
	[tilespmem:s8+$0xE410] =	vst v4;
	v2 =	vperm.xlane v2, v0  }
0x117: {  	v53 =	vld [tilespmem:s9+$0x6460];
	[tilespmem:s8+$0xE420] =	vst v1;
	v1 =	vperm.xlane v3, v0  }
0x118: {  	v3 =	vld [tilespmem:s9+$0x6450];
	[tilespmem:s8+$0xE430] =	vst v2;
	v2 =	vperm.xlane v5, v0  }
0x119: {  	v54 =	vld [tilespmem:s9+$0x6440];
	[tilespmem:s8+$0xE440] =	vst v1;
	v1 =	vperm.xlane v51, v0  }
0x11a: {  	v55 =	vld [tilespmem:s9+$0x6430];
	v8 =	vperm.xlane v8, v0;
	[tilespmem:s8+$0xE450] =	vst v2  }
0x11b: {  	v56 =	vld [tilespmem:s9+$0x6420];
	v2 =	vperm.xlane v52, v0;
	[tilespmem:s8+$0xE460] =	vst v1  }
0x11c: {  	v57 =	vld [tilespmem:s9+$0x6410];
	v1 =	vperm.xlane v53, v0;
	[tilespmem:s9+$0xE470] =	vst v8  }
0x11d: {  	[tilespmem:s9+$0xE000] =	vst v2;
	v2 =	vperm.xlane v3, v0;
	v3 =	vld [tilespmem:s9+$0x6400]  }
0x11e: {  	v58 =	vld [tilespmem:s9+$0x6070];
	[tilespmem:s9+$0xE010] =	vst v1;
	v1 =	vperm.xlane v54, v0  }
0x11f: {  	v59 =	vld [tilespmem:s9+$0x6060];
	[tilespmem:s9+$0xE020] =	vst v2;
	v2 =	vperm.xlane v55, v0  }
0x120: {  	v60 =	vld [tilespmem:s9+$0x6050];
	[tilespmem:s9+$0xE030] =	vst v1;
	v1 =	vperm.xlane v56, v0  }
0x121: {  	v61 =	vld [tilespmem:s9+$0x6040];
	[tilespmem:s9+$0xE040] =	vst v2;
	v2 =	vperm.xlane v57, v0  }
0x122: {  	[tilespmem:s9+$0xE050] =	vst v1;
	v1 =	vperm.xlane v3, v0;
	v3 =	vld [tilespmem:s9+$0x6030]  }
0x123: {  	v62 =	vld [tilespmem:s9+$0x6020];
	[tilespmem:s9+$0xE060] =	vst v2;
	v2 =	vperm.xlane v58, v0  }
0x124: {  	v63 =	vld [tilespmem:s9+$0x6010];
	[tilespmem:s9+$0xE070] =	vst v1;
	v1 =	vperm.xlane v59, v0  }
0x125: {  	[tilespmem:s9+$0xE400] =	vst v2;
	v2 =	vperm.xlane v60, v0  }
0x126: {  	[tilespmem:s9+$0xE410] =	vst v1;
	v1 =	vperm.xlane v61, v0  }
0x127: {  	[tilespmem:s9+$0xE420] =	vst v2;
	v2 =	vperm.xlane v3, v0  }
.Ltmp6:
0x128: {  	[tilespmem:s9+$0xE430] =	vst v1;
	v1 =	vperm.xlane v62, v0;
	(pc) =	sbr.rel @p1 .LBB2_12-.Ltmp6, $4  }
0x129: {  	[tilespmem:s9+$0xE440] =	vst v2;
	v2 =	vperm.xlane v63, v0  }
0x12a: {  	s28 =	sshll.u32 s7, $0x5;
	[tilespmem:s9+$0xE450] =	vst v1  }
0x12b: {  	s6 =	sadd.s32 s3, s28;
	[tilespmem:s9+$0xE460] =	vst v2  }
0x12c: {  	[hbm4b:s6+s5] =	stream.linear.scatter [tilespmem:s26], [sflag:$0x8], $0x2000, $0x38;
	[tilespmem:$0x10000] =	vst v63  }
.Ltmp7:
0x12d: {  	(pc) =	sbr.rel .LBB2_2-.Ltmp7, $4  }
0x12e: {  	s6 =	sadd.s32 s16, s14  }
0x12f: {  	s6 =	sshll.u32 s6, $0x5  }
0x130: {  	s0 =	sadd.s32 $0x1, s0;
	s6 =	sadd.s32 s2, s6  }
0x131: {  	[tilespmem:s18], [sflag:$0x4] =	stream.linear.gather [hbm4b:s6+s5], $0x2000, $0x38;
	[tilespmem:$0x10000] =	vst v63  }
.LBB2_13:
0x132: {  	_ =	sfence.sel $0x180000  }
0x133: {  	[bflag:$0x0] =	sbarrier.arrive $0xFFFF  }
0x134: {  	_ =	strace $0x90000047  }
0x135: {  	s0 =	stileid.u32;
	[bflag:$0x2] =	sbarrier.arrive $0xFFFF  }
0x136: {  	p0 =	sne.s32 s0, $0x0;
	s0 =	rddreg [dreg:$0x2]  }
0x137: {  	s0 =	sadd.s32 @!p0 $0x100000, s0  }
0x138: {  	[sflag:s0] =	ssyncadd.tile.s32 @!p0 $0x1;
	_ =	shalt  }
.Lfunc_end2:
_tile_overlayer_lowered:
.L_overlay_start_2:
0x139: {  	(tag) =	ssettag $0x2  }
0x13a: {  	s0 =	rddreg [dreg:$0x0];
	s2 =	stileid.u32  }
0x13b: {  	s1 =	rddreg [dreg:$0x1];
	p0 =	sne.s32 s2, $0x0  }
0x13c: {  	s3 =	rddreg [dreg:$0x2];
	[bflag:$0x3] =	sbarrier.arrive $0xFFFF;
	s2 =	simm.s32 @!p0 $0x1C09  }
0x13d: {  	[timem:s3], [sflag:s2] =	dma.local @!p0 [hbm:s0], s1  }
0x13e: {  	s0 =	simm.s32 @!p0 $0x9  }
0x13f: {  	_ =	swait.ge @!p0 [sflag:s0], s1  }
0x140: {  	s1 =	ssub.s32 @!p0 $0x0, s1;
	[sflag:s0] =	ssyncset.done @!p0 $0x0  }
0x141: {  	[sflag:s0] =	ssyncadd.s32 @!p0 s1  }
0x142: {  	[bflag:$0x3] =	sbarrier.arrive $0xFFFF  }
0x143: {  	_ =	shalt  }

</sc_bundles>
